<compile_context>
chip_gen: v7x
topology: tpu7x:2x2x1
jax: 0.10.2.dev20260603
libtpu: 0.0.44.dev20260713+nightly
codegen_flags: <defaults>
</compile_context>

<pallas_src>
import functools

import jax
import jax.numpy as jnp
from jax import lax
from jax.experimental import pallas as pl
from jax.experimental.pallas import tpu as pltpu
from jax.experimental.pallas import tpu_sc as plsc

V = 1000000
D = 64
OUT = 2
B = 4096
L = 200

_NC = 2
_NS = 16
_NW = _NC * _NS
_BPW = B // _NW
_C0 = 128
_C1 = L - _C0
_NBUF = 4


def _sc_pool_body(idxa_hbm, idxb_hbm, table_hbm, out_hbm,
                  idxa_v, idxb_v, bufs, pooled_v, sems):
    wid = lax.axis_index("s") * _NC + lax.axis_index("c")
    base = wid * _BPW

    pltpu.sync_copy(idxa_hbm.at[pl.ds(base * _C0, _BPW * _C0)], idxa_v)
    pltpu.sync_copy(idxb_hbm.at[pl.ds(base * _C0, _BPW * _C0)], idxb_v)

    def issue(r, b):
        pltpu.async_copy(
            table_hbm.at[idxa_v.at[pl.ds(r * _C0, _C0)]],
            bufs[b].at[pl.ds(0, _C0)], sems[b])
        pltpu.async_copy(
            table_hbm.at[idxb_v.at[pl.ds(r * _C0, _C1)]],
            bufs[b].at[pl.ds(_C0, _C1)], sems[b])

    def drain(b):
        pltpu.make_async_copy(
            table_hbm.at[idxa_v.at[pl.ds(0, _C0)]],
            bufs[b].at[pl.ds(0, _C0)], sems[b]).wait()
        pltpu.make_async_copy(
            table_hbm.at[idxb_v.at[pl.ds(0, _C1)]],
            bufs[b].at[pl.ds(_C0, _C1)], sems[b]).wait()

    def acc_row(b, r):
        buf = bufs[b]

        def tok8(t8, acc):
            accs = list(acc)
            for u in range(8):
                t = t8 * 8 + u
                for j in range(4):
                    accs[j] = accs[j] + buf[t, pl.ds(16 * j, 16)]
            return tuple(accs)

        z = jnp.zeros((16,), jnp.float32)
        accs = lax.fori_loop(0, L // 8, tok8, (z, z, z, z))
        for j in range(4):
            pooled_v[r, pl.ds(16 * j, 16)] = accs[j]

    for b in range(_NBUF):
        issue(b, b)

    def grp_loop(i, carry):
        del carry
        for b in range(_NBUF):
            r = _NBUF * i + b
            drain(b)

            @pl.when(r + _NBUF < _BPW)
            def _():
                issue(r + _NBUF, b)

            acc_row(b, r)
        return 0

    lax.fori_loop(0, _BPW // _NBUF, grp_loop, 0)
    pltpu.sync_copy(pooled_v, out_hbm.at[pl.ds(base, _BPW)])


@functools.partial(
    pl.kernel,
    mesh=plsc.VectorSubcoreMesh(core_axis_name="c", subcore_axis_name="s"),
    out_type=jax.ShapeDtypeStruct((B, D), jnp.float32),
    scratch_types=[
        pltpu.VMEM((_BPW * _C0,), jnp.int32),
        pltpu.VMEM((_BPW * _C0,), jnp.int32),
        [pltpu.VMEM((L, D), jnp.float32) for _ in range(_NBUF)],
        pltpu.VMEM((_BPW, D), jnp.float32),
        [pltpu.SemaphoreType.DMA for _ in range(_NBUF)],
    ],
    compiler_params=pltpu.CompilerParams(use_tc_tiling_on_sc=False),
)
def _sc_pool(idxa_hbm, idxb_hbm, table_hbm, out_hbm,
             idxa_v, idxb_v, bufs, pooled_v, sems):
    _sc_pool_body(idxa_hbm, idxb_hbm, table_hbm, out_hbm,
                  idxa_v, idxb_v, bufs, pooled_v, sems)


def _fc_body(pooled_ref, w_ref, b_ref, out_ref):
    pooled = pooled_ref[...] * jnp.float32(1.0 / L)
    out_ref[...] = (
        jnp.dot(pooled, w_ref[...].T, preferred_element_type=jnp.float32)
        + b_ref[...]
    )


def _fc(pooled_sums, fc_W, fc_b):
    return pl.pallas_call(
        _fc_body,
        out_shape=jax.ShapeDtypeStruct((B, OUT), jnp.float32),
    )(pooled_sums, fc_W, fc_b.reshape(1, OUT))


def kernel(text, W_emb, fc_W, fc_b):
    t32 = text.astype(jnp.int32)
    flat_a = t32[:, :_C0].reshape(-1)
    flat_b = jnp.concatenate([t32[:, _C0:], t32[:, :_C0 - _C1]], axis=1).reshape(-1)
    pooled_sums = _sc_pool(flat_a, flat_b, W_emb)
    return _fc(pooled_sums, fc_W, fc_b)

# --- scband reference (transcript-rebuilt; emitter-appended) ---
"""Pipeline reference for scband-nbow-25675314495811 (READ-ONLY COPY).

The authoritative reference and input builder live on the scoring server;
editing this copy changes nothing except your own understanding.
"""

import jax, jax.numpy as jnp
import numpy as np

V = 1000000   # input_dim (vocab)
D = 64        # emb_dim
OUT = 2       # output_dim
B = 4096      # batch
L = 200       # sequence length (hist_len)
PAD = 0       # padding_idx


def setup_inputs(seed: int = 0) -> dict:
    key = jax.random.key(seed)
    k1, k2, k3 = jax.random.split(key, 3)
    text = jax.random.randint(k1, (B, L), 0, V)
    W_emb = jax.random.normal(k2, (V, D), dtype=jnp.float32) * 0.02
    # nn.Embedding(padding_idx=pad_idx): row at pad_idx is zero
    W_emb = W_emb.at[PAD].set(0.0)
    fc_W = jax.random.normal(k3, (OUT, D), dtype=jnp.float32) * 0.05
    fc_b = jnp.zeros((OUT,), dtype=jnp.float32)
    return {"text": text, "W_emb": W_emb, "fc_W": fc_W, "fc_b": fc_b}


def reference(text, W_emb, fc_W, fc_b):
    # embedded = self.embedding(text)  -> gather rows
    embedded = jnp.take(W_emb, text, axis=0)          # [B, L, D]
    # pooled = embedded.mean(1)
    pooled = embedded.mean(axis=1)                    # [B, D]
    # prediction = self.fc(pooled)
    prediction = pooled @ fc_W.T + fc_b               # [B, OUT]
    return prediction

if __name__ == "__main__":
    import jax
    _d = setup_inputs()
    print(jax.jit(kernel)(*tuple(_d.values())))

</pallas_src>

<mosaic_0001>
#map = affine_map<(d0, d1) -> (0)>
#map1 = affine_map<(d0, d1) -> (0, 0)>
module attributes {stable_mosaic.version = 14 : i64} {
  func.func @_sc_pool(%arg0: i32, %arg1: i32, %arg2: memref<524288xi32, #tpu.memory_space<hbm>>, %arg3: memref<524288xi32, #tpu.memory_space<hbm>>, %arg4: memref<1000000x64xf32, #tpu.memory_space<hbm>>, %arg5: memref<4096x64xf32, #tpu.memory_space<hbm>>, %arg6: memref<16384xi32, #tpu.memory_space<vmem>>, %arg7: memref<16384xi32, #tpu.memory_space<vmem>>, %arg8: memref<200x64xf32, #tpu.memory_space<vmem>>, %arg9: memref<200x64xf32, #tpu.memory_space<vmem>>, %arg10: memref<200x64xf32, #tpu.memory_space<vmem>>, %arg11: memref<200x64xf32, #tpu.memory_space<vmem>>, %arg12: memref<128x64xf32, #tpu.memory_space<vmem>>, %arg13: memref<!tpu.dma_semaphore, #tpu.memory_space<semaphore_mem>>, %arg14: memref<!tpu.dma_semaphore, #tpu.memory_space<semaphore_mem>>, %arg15: memref<!tpu.dma_semaphore, #tpu.memory_space<semaphore_mem>>, %arg16: memref<!tpu.dma_semaphore, #tpu.memory_space<semaphore_mem>>) attributes {dimension_semantics = [#tpu.dimension_semantics<core_parallel>, #tpu.dimension_semantics<subcore_parallel>], iteration_bounds = array<i64: 2, 16>, scalar_prefetch = 0 : i64, scratch_operands = 11 : i64, tpu.core_type = #tpu.core_type<sc_vector_subcore>, window_params = [{transform_indices = #map}, {transform_indices = #map}, {transform_indices = #map1}, {transform_indices = #map1}]} {
    %mul3A = arith.constant 2 : i32
    %mul3A_0 = arith.muli %arg1, %mul3A : i32
    %add3A = arith.addi %mul3A_0, %arg0 : i32
    %mul3A_1 = arith.constant 128 : i32
    %mul3A_2 = arith.muli %add3A, %mul3A_1 : i32
    %mul3A_3 = arith.constant 128 : i32
    %mul3A_4 = arith.muli %mul3A_2, %mul3A_3 : i32
    "tpu.region"() ({
      %run_scoped3A = tpu.sem_alloc : memref<!tpu.dma_semaphore, #tpu.memory_space<semaphore_mem>>
      %dma_start3A_76 = tpu.memref_slice %arg2[%mul3A_4] : memref<524288xi32, #tpu.memory_space<hbm>> -> memref<16384xi32, #tpu.memory_space<hbm>>
      %dma_start3A_77 = tpu.memref_slice %arg2[%mul3A_4] : memref<524288xi32, #tpu.memory_space<hbm>> -> memref<16384xi32, #tpu.memory_space<hbm>>
      tpu.enqueue_dma source(%dma_start3A_77 : memref<16384xi32, #tpu.memory_space<hbm>>) target(%arg6 : memref<16384xi32, #tpu.memory_space<vmem>>) target_semaphore(%run_scoped3A : memref<!tpu.dma_semaphore, #tpu.memory_space<semaphore_mem>>)
      %dma_wait3A = tpu.memref_slice %arg2[%mul3A_4] : memref<524288xi32, #tpu.memory_space<hbm>> -> memref<16384xi32, #tpu.memory_space<hbm>>
      %dma_wait3A_78 = tpu.memref_slice %arg2[%mul3A_4] : memref<524288xi32, #tpu.memory_space<hbm>> -> memref<16384xi32, #tpu.memory_space<hbm>>
      tpu.wait_dma2 semaphore(%run_scoped3A : memref<!tpu.dma_semaphore, #tpu.memory_space<semaphore_mem>>) src(%dma_wait3A_78 : memref<16384xi32, #tpu.memory_space<hbm>>) dst(%arg6 : memref<16384xi32, #tpu.memory_space<vmem>>)
      tpu.yield
    }) : () -> ()
    %mul3A_5 = arith.constant 128 : i32
    %mul3A_6 = arith.muli %mul3A_2, %mul3A_5 : i32
    "tpu.region"() ({
      %run_scoped3A = tpu.sem_alloc : memref<!tpu.dma_semaphore, #tpu.memory_space<semaphore_mem>>
      %dma_start3A_76 = tpu.memref_slice %arg3[%mul3A_6] : memref<524288xi32, #tpu.memory_space<hbm>> -> memref<16384xi32, #tpu.memory_space<hbm>>
      %dma_start3A_77 = tpu.memref_slice %arg3[%mul3A_6] : memref<524288xi32, #tpu.memory_space<hbm>> -> memref<16384xi32, #tpu.memory_space<hbm>>
      tpu.enqueue_dma source(%dma_start3A_77 : memref<16384xi32, #tpu.memory_space<hbm>>) target(%arg7 : memref<16384xi32, #tpu.memory_space<vmem>>) target_semaphore(%run_scoped3A : memref<!tpu.dma_semaphore, #tpu.memory_space<semaphore_mem>>)
      %dma_wait3A = tpu.memref_slice %arg3[%mul3A_6] : memref<524288xi32, #tpu.memory_space<hbm>> -> memref<16384xi32, #tpu.memory_space<hbm>>
      %dma_wait3A_78 = tpu.memref_slice %arg3[%mul3A_6] : memref<524288xi32, #tpu.memory_space<hbm>> -> memref<16384xi32, #tpu.memory_space<hbm>>
      tpu.wait_dma2 semaphore(%run_scoped3A : memref<!tpu.dma_semaphore, #tpu.memory_space<semaphore_mem>>) src(%dma_wait3A_78 : memref<16384xi32, #tpu.memory_space<hbm>>) dst(%arg7 : memref<16384xi32, #tpu.memory_space<vmem>>)
      tpu.yield
    }) : () -> ()
    %dma_start3A = arith.constant 0 : i32
    %dma_start3A_7 = arith.constant 0 : i32
    %dma_start3A_8 = tpu.memref_slice %arg8[%dma_start3A, %dma_start3A_7] : memref<200x64xf32, #tpu.memory_space<vmem>> -> memref<128x64xf32, #tpu.memory_space<vmem>>
    %dma_start3A_9 = arith.constant 0 : i32
    %dma_start3A_10 = tpu.memref_slice %arg6[%dma_start3A_9] : memref<16384xi32, #tpu.memory_space<vmem>> -> memref<128xi32, #tpu.memory_space<vmem>>
    %dma_start3A_11 = arith.constant 0 : i32
    %dma_start3A_12 = arith.constant 0 : i32
    %dma_start3A_13 = tpu.memref_slice %arg4[%dma_start3A_11, %dma_start3A_12] : memref<1000000x64xf32, #tpu.memory_space<hbm>> -> memref<1000000x64xf32, #tpu.memory_space<hbm>>
    tpu.enqueue_indirect_dma source(%dma_start3A_13 : memref<1000000x64xf32, #tpu.memory_space<hbm>>) target(%dma_start3A_8 : memref<128x64xf32, #tpu.memory_space<vmem>>) offsets(%dma_start3A_10 : memref<128xi32, #tpu.memory_space<vmem>>) semaphore(%arg13 : memref<!tpu.dma_semaphore, #tpu.memory_space<semaphore_mem>>)
    %dma_start3A_14 = arith.constant 128 : i32
    %dma_start3A_15 = arith.constant 0 : i32
    %dma_start3A_16 = tpu.memref_slice %arg8[%dma_start3A_14, %dma_start3A_15] : memref<200x64xf32, #tpu.memory_space<vmem>> -> memref<72x64xf32, #tpu.memory_space<vmem>>
    %dma_start3A_17 = arith.constant 0 : i32
    %dma_start3A_18 = tpu.memref_slice %arg7[%dma_start3A_17] : memref<16384xi32, #tpu.memory_space<vmem>> -> memref<72xi32, #tpu.memory_space<vmem>>
    %dma_start3A_19 = arith.constant 0 : i32
    %dma_start3A_20 = arith.constant 0 : i32
    %dma_start3A_21 = tpu.memref_slice %arg4[%dma_start3A_19, %dma_start3A_20] : memref<1000000x64xf32, #tpu.memory_space<hbm>> -> memref<1000000x64xf32, #tpu.memory_space<hbm>>
    tpu.enqueue_indirect_dma source(%dma_start3A_21 : memref<1000000x64xf32, #tpu.memory_space<hbm>>) target(%dma_start3A_16 : memref<72x64xf32, #tpu.memory_space<vmem>>) offsets(%dma_start3A_18 : memref<72xi32, #tpu.memory_space<vmem>>) semaphore(%arg13 : memref<!tpu.dma_semaphore, #tpu.memory_space<semaphore_mem>>)
    %dma_start3A_22 = arith.constant 0 : i32
    %dma_start3A_23 = arith.constant 0 : i32
    %dma_start3A_24 = tpu.memref_slice %arg9[%dma_start3A_22, %dma_start3A_23] : memref<200x64xf32, #tpu.memory_space<vmem>> -> memref<128x64xf32, #tpu.memory_space<vmem>>
    %dma_start3A_25 = arith.constant 128 : i32
    %dma_start3A_26 = tpu.memref_slice %arg6[%dma_start3A_25] : memref<16384xi32, #tpu.memory_space<vmem>> -> memref<128xi32, #tpu.memory_space<vmem>>
    %dma_start3A_27 = arith.constant 0 : i32
    %dma_start3A_28 = arith.constant 0 : i32
    %dma_start3A_29 = tpu.memref_slice %arg4[%dma_start3A_27, %dma_start3A_28] : memref<1000000x64xf32, #tpu.memory_space<hbm>> -> memref<1000000x64xf32, #tpu.memory_space<hbm>>
    tpu.enqueue_indirect_dma source(%dma_start3A_29 : memref<1000000x64xf32, #tpu.memory_space<hbm>>) target(%dma_start3A_24 : memref<128x64xf32, #tpu.memory_space<vmem>>) offsets(%dma_start3A_26 : memref<128xi32, #tpu.memory_space<vmem>>) semaphore(%arg14 : memref<!tpu.dma_semaphore, #tpu.memory_space<semaphore_mem>>)
    %dma_start3A_30 = arith.constant 128 : i32
    %dma_start3A_31 = arith.constant 0 : i32
    %dma_start3A_32 = tpu.memref_slice %arg9[%dma_start3A_30, %dma_start3A_31] : memref<200x64xf32, #tpu.memory_space<vmem>> -> memref<72x64xf32, #tpu.memory_space<vmem>>
    %dma_start3A_33 = arith.constant 128 : i32
    %dma_start3A_34 = tpu.memref_slice %arg7[%dma_start3A_33] : memref<16384xi32, #tpu.memory_space<vmem>> -> memref<72xi32, #tpu.memory_space<vmem>>
    %dma_start3A_35 = arith.constant 0 : i32
    %dma_start3A_36 = arith.constant 0 : i32
    %dma_start3A_37 = tpu.memref_slice %arg4[%dma_start3A_35, %dma_start3A_36] : memref<1000000x64xf32, #tpu.memory_space<hbm>> -> memref<1000000x64xf32, #tpu.memory_space<hbm>>
    tpu.enqueue_indirect_dma source(%dma_start3A_37 : memref<1000000x64xf32, #tpu.memory_space<hbm>>) target(%dma_start3A_32 : memref<72x64xf32, #tpu.memory_space<vmem>>) offsets(%dma_start3A_34 : memref<72xi32, #tpu.memory_space<vmem>>) semaphore(%arg14 : memref<!tpu.dma_semaphore, #tpu.memory_space<semaphore_mem>>)
    %dma_start3A_38 = arith.constant 0 : i32
    %dma_start3A_39 = arith.constant 0 : i32
    %dma_start3A_40 = tpu.memref_slice %arg10[%dma_start3A_38, %dma_start3A_39] : memref<200x64xf32, #tpu.memory_space<vmem>> -> memref<128x64xf32, #tpu.memory_space<vmem>>
    %dma_start3A_41 = arith.constant 256 : i32
    %dma_start3A_42 = tpu.memref_slice %arg6[%dma_start3A_41] : memref<16384xi32, #tpu.memory_space<vmem>> -> memref<128xi32, #tpu.memory_space<vmem>>
    %dma_start3A_43 = arith.constant 0 : i32
    %dma_start3A_44 = arith.constant 0 : i32
    %dma_start3A_45 = tpu.memref_slice %arg4[%dma_start3A_43, %dma_start3A_44] : memref<1000000x64xf32, #tpu.memory_space<hbm>> -> memref<1000000x64xf32, #tpu.memory_space<hbm>>
    tpu.enqueue_indirect_dma source(%dma_start3A_45 : memref<1000000x64xf32, #tpu.memory_space<hbm>>) target(%dma_start3A_40 : memref<128x64xf32, #tpu.memory_space<vmem>>) offsets(%dma_start3A_42 : memref<128xi32, #tpu.memory_space<vmem>>) semaphore(%arg15 : memref<!tpu.dma_semaphore, #tpu.memory_space<semaphore_mem>>)
    %dma_start3A_46 = arith.constant 128 : i32
    %dma_start3A_47 = arith.constant 0 : i32
    %dma_start3A_48 = tpu.memref_slice %arg10[%dma_start3A_46, %dma_start3A_47] : memref<200x64xf32, #tpu.memory_space<vmem>> -> memref<72x64xf32, #tpu.memory_space<vmem>>
    %dma_start3A_49 = arith.constant 256 : i32
    %dma_start3A_50 = tpu.memref_slice %arg7[%dma_start3A_49] : memref<16384xi32, #tpu.memory_space<vmem>> -> memref<72xi32, #tpu.memory_space<vmem>>
    %dma_start3A_51 = arith.constant 0 : i32
    %dma_start3A_52 = arith.constant 0 : i32
    %dma_start3A_53 = tpu.memref_slice %arg4[%dma_start3A_51, %dma_start3A_52] : memref<1000000x64xf32, #tpu.memory_space<hbm>> -> memref<1000000x64xf32, #tpu.memory_space<hbm>>
    tpu.enqueue_indirect_dma source(%dma_start3A_53 : memref<1000000x64xf32, #tpu.memory_space<hbm>>) target(%dma_start3A_48 : memref<72x64xf32, #tpu.memory_space<vmem>>) offsets(%dma_start3A_50 : memref<72xi32, #tpu.memory_space<vmem>>) semaphore(%arg15 : memref<!tpu.dma_semaphore, #tpu.memory_space<semaphore_mem>>)
    %dma_start3A_54 = arith.constant 0 : i32
    %dma_start3A_55 = arith.constant 0 : i32
    %dma_start3A_56 = tpu.memref_slice %arg11[%dma_start3A_54, %dma_start3A_55] : memref<200x64xf32, #tpu.memory_space<vmem>> -> memref<128x64xf32, #tpu.memory_space<vmem>>
    %dma_start3A_57 = arith.constant 384 : i32
    %dma_start3A_58 = tpu.memref_slice %arg6[%dma_start3A_57] : memref<16384xi32, #tpu.memory_space<vmem>> -> memref<128xi32, #tpu.memory_space<vmem>>
    %dma_start3A_59 = arith.constant 0 : i32
    %dma_start3A_60 = arith.constant 0 : i32
    %dma_start3A_61 = tpu.memref_slice %arg4[%dma_start3A_59, %dma_start3A_60] : memref<1000000x64xf32, #tpu.memory_space<hbm>> -> memref<1000000x64xf32, #tpu.memory_space<hbm>>
    tpu.enqueue_indirect_dma source(%dma_start3A_61 : memref<1000000x64xf32, #tpu.memory_space<hbm>>) target(%dma_start3A_56 : memref<128x64xf32, #tpu.memory_space<vmem>>) offsets(%dma_start3A_58 : memref<128xi32, #tpu.memory_space<vmem>>) semaphore(%arg16 : memref<!tpu.dma_semaphore, #tpu.memory_space<semaphore_mem>>)
    %dma_start3A_62 = arith.constant 128 : i32
    %dma_start3A_63 = arith.constant 0 : i32
    %dma_start3A_64 = tpu.memref_slice %arg11[%dma_start3A_62, %dma_start3A_63] : memref<200x64xf32, #tpu.memory_space<vmem>> -> memref<72x64xf32, #tpu.memory_space<vmem>>
    %dma_start3A_65 = arith.constant 384 : i32
    %dma_start3A_66 = tpu.memref_slice %arg7[%dma_start3A_65] : memref<16384xi32, #tpu.memory_space<vmem>> -> memref<72xi32, #tpu.memory_space<vmem>>
    %dma_start3A_67 = arith.constant 0 : i32
    %dma_start3A_68 = arith.constant 0 : i32
    %dma_start3A_69 = tpu.memref_slice %arg4[%dma_start3A_67, %dma_start3A_68] : memref<1000000x64xf32, #tpu.memory_space<hbm>> -> memref<1000000x64xf32, #tpu.memory_space<hbm>>
    tpu.enqueue_indirect_dma source(%dma_start3A_69 : memref<1000000x64xf32, #tpu.memory_space<hbm>>) target(%dma_start3A_64 : memref<72x64xf32, #tpu.memory_space<vmem>>) offsets(%dma_start3A_66 : memref<72xi32, #tpu.memory_space<vmem>>) semaphore(%arg16 : memref<!tpu.dma_semaphore, #tpu.memory_space<semaphore_mem>>)
    %scan3A = arith.constant 0 : i32
    %scan3A_70 = arith.constant 0 : i32
    %scan3A_71 = arith.constant 32 : i32
    %scan3A_72 = arith.addi %scan3A_70, %scan3A_71 : i32
    %scan3A_73 = arith.constant 1 : i32
    %scan3A_74 = scf.for %scan3A_76 = %scan3A_70 to %scan3A_72 step %scan3A_73 iter_args(%scan3A_77 = %scan3A) -> (i32)  : i32 {
      %mul3A_78 = arith.constant 4 : i32
      %mul3A_79 = arith.muli %mul3A_78, %scan3A_76 : i32
      %add3A_80 = arith.constant 0 : i32
      %add3A_81 = arith.addi %mul3A_79, %add3A_80 : i32
      %dma_wait3A = arith.constant 0 : i32
      %dma_wait3A_82 = arith.constant 0 : i32
      %dma_wait3A_83 = tpu.memref_slice %arg8[%dma_wait3A, %dma_wait3A_82] : memref<200x64xf32, #tpu.memory_space<vmem>> -> memref<128x64xf32, #tpu.memory_space<vmem>>
      %dma_wait3A_84 = arith.constant 0 : i32
      %dma_wait3A_85 = tpu.memref_slice %arg6[%dma_wait3A_84] : memref<16384xi32, #tpu.memory_space<vmem>> -> memref<128xi32, #tpu.memory_space<vmem>>
      %dma_wait3A_86 = arith.constant 0 : i32
      %dma_wait3A_87 = arith.constant 0 : i32
      %dma_wait3A_88 = tpu.memref_slice %arg4[%dma_wait3A_86, %dma_wait3A_87] : memref<1000000x64xf32, #tpu.memory_space<hbm>> -> memref<1000000x64xf32, #tpu.memory_space<hbm>>
      tpu.wait_indirect_dma semaphore(%arg13 : memref<!tpu.dma_semaphore, #tpu.memory_space<semaphore_mem>>) src(%dma_wait3A_88 : memref<1000000x64xf32, #tpu.memory_space<hbm>>) dst(%dma_wait3A_83 : memref<128x64xf32, #tpu.memory_space<vmem>>)
      %dma_wait3A_89 = arith.constant 128 : i32
      %dma_wait3A_90 = arith.constant 0 : i32
      %dma_wait3A_91 = tpu.memref_slice %arg8[%dma_wait3A_89, %dma_wait3A_90] : memref<200x64xf32, #tpu.memory_space<vmem>> -> memref<72x64xf32, #tpu.memory_space<vmem>>
      %dma_wait3A_92 = arith.constant 0 : i32
      %dma_wait3A_93 = tpu.memref_slice %arg7[%dma_wait3A_92] : memref<16384xi32, #tpu.memory_space<vmem>> -> memref<72xi32, #tpu.memory_space<vmem>>
      %dma_wait3A_94 = arith.constant 0 : i32
      %dma_wait3A_95 = arith.constant 0 : i32
      %dma_wait3A_96 = tpu.memref_slice %arg4[%dma_wait3A_94, %dma_wait3A_95] : memref<1000000x64xf32, #tpu.memory_space<hbm>> -> memref<1000000x64xf32, #tpu.memory_space<hbm>>
      tpu.wait_indirect_dma semaphore(%arg13 : memref<!tpu.dma_semaphore, #tpu.memory_space<semaphore_mem>>) src(%dma_wait3A_96 : memref<1000000x64xf32, #tpu.memory_space<hbm>>) dst(%dma_wait3A_91 : memref<72x64xf32, #tpu.memory_space<vmem>>)
      %add3A_97 = arith.constant 4 : i32
      %add3A_98 = arith.addi %add3A_81, %add3A_97 : i32
      %lt3A = arith.constant 128 : i32
      %lt3A_99 = arith.cmpi slt, %add3A_98, %lt3A : i32
      %convert_element_type3A = arith.extui %lt3A_99 : i1 to i32
      %cond3A = arith.constant 0 : i32
      %cond3A_100 = arith.cmpi ne, %convert_element_type3A, %cond3A : i32
      scf.if %cond3A_100 {
        %add3A_293 = arith.constant 4 : i32
        %add3A_294 = arith.addi %add3A_81, %add3A_293 : i32
        %mul3A_295 = arith.constant 128 : i32
        %mul3A_296 = arith.muli %add3A_294, %mul3A_295 : i32
        %dma_start3A_297 = arith.constant 0 : i32
        %dma_start3A_298 = arith.constant 0 : i32
        %dma_start3A_299 = tpu.memref_slice %arg8[%dma_start3A_297, %dma_start3A_298] : memref<200x64xf32, #tpu.memory_space<vmem>> -> memref<128x64xf32, #tpu.memory_space<vmem>>
        %dma_start3A_300 = tpu.memref_slice %arg6[%mul3A_296] : memref<16384xi32, #tpu.memory_space<vmem>> -> memref<128xi32, #tpu.memory_space<vmem>>
        %dma_start3A_301 = arith.constant 0 : i32
        %dma_start3A_302 = arith.constant 0 : i32
        %dma_start3A_303 = tpu.memref_slice %arg4[%dma_start3A_301, %dma_start3A_302] : memref<1000000x64xf32, #tpu.memory_space<hbm>> -> memref<1000000x64xf32, #tpu.memory_space<hbm>>
        tpu.enqueue_indirect_dma source(%dma_start3A_303 : memref<1000000x64xf32, #tpu.memory_space<hbm>>) target(%dma_start3A_299 : memref<128x64xf32, #tpu.memory_space<vmem>>) offsets(%dma_start3A_300 : memref<128xi32, #tpu.memory_space<vmem>>) semaphore(%arg13 : memref<!tpu.dma_semaphore, #tpu.memory_space<semaphore_mem>>)
        %mul3A_304 = arith.constant 128 : i32
        %mul3A_305 = arith.muli %add3A_294, %mul3A_304 : i32
        %dma_start3A_306 = arith.constant 128 : i32
        %dma_start3A_307 = arith.constant 0 : i32
        %dma_start3A_308 = tpu.memref_slice %arg8[%dma_start3A_306, %dma_start3A_307] : memref<200x64xf32, #tpu.memory_space<vmem>> -> memref<72x64xf32, #tpu.memory_space<vmem>>
        %dma_start3A_309 = tpu.memref_slice %arg7[%mul3A_305] : memref<16384xi32, #tpu.memory_space<vmem>> -> memref<72xi32, #tpu.memory_space<vmem>>
        %dma_start3A_310 = arith.constant 0 : i32
        %dma_start3A_311 = arith.constant 0 : i32
        %dma_start3A_312 = tpu.memref_slice %arg4[%dma_start3A_310, %dma_start3A_311] : memref<1000000x64xf32, #tpu.memory_space<hbm>> -> memref<1000000x64xf32, #tpu.memory_space<hbm>>
        tpu.enqueue_indirect_dma source(%dma_start3A_312 : memref<1000000x64xf32, #tpu.memory_space<hbm>>) target(%dma_start3A_308 : memref<72x64xf32, #tpu.memory_space<vmem>>) offsets(%dma_start3A_309 : memref<72xi32, #tpu.memory_space<vmem>>) semaphore(%arg13 : memref<!tpu.dma_semaphore, #tpu.memory_space<semaphore_mem>>)
      } else {
      }
      %broadcast_in_dim3A = arith.constant 0.000000e+00 : f32
      %broadcast_in_dim3A_101 = vector.broadcast %broadcast_in_dim3A : f32 to vector<16xf32>
      %scan3A_102 = arith.constant 0 : i32
      %scan3A_103 = arith.constant 25 : i32
      %scan3A_104 = arith.addi %scan3A_102, %scan3A_103 : i32
      %scan3A_105 = arith.constant 1 : i32
      %scan3A_106:4 = scf.for %scan3A_293 = %scan3A_102 to %scan3A_104 step %scan3A_105 iter_args(%scan3A_294 = %broadcast_in_dim3A_101, %scan3A_295 = %broadcast_in_dim3A_101, %scan3A_296 = %broadcast_in_dim3A_101, %scan3A_297 = %broadcast_in_dim3A_101) -> (vector<16xf32>, vector<16xf32>, vector<16xf32>, vector<16xf32>)  : i32 {
        %mul3A_298 = arith.constant 8 : i32
        %mul3A_299 = arith.muli %scan3A_293, %mul3A_298 : i32
        %add3A_300 = arith.constant 0 : i32
        %add3A_301 = arith.addi %mul3A_299, %add3A_300 : i32
        %get3A = arith.index_cast %add3A_301 : i32 to index
        %get3A_302 = arith.constant 0 : index
        %get3A_303 = tpu.vector_load %arg8[%get3A, %get3A_302] {strides = array<i32>} : memref<200x64xf32, #tpu.memory_space<vmem>>, vector<1x16xf32>,
        %get3A_304 = vector.shape_cast %get3A_303 : vector<1x16xf32> to vector<16xf32>
        %add3A_305 = arith.addf %scan3A_294, %get3A_304 : vector<16xf32>
        %get3A_306 = arith.index_cast %add3A_301 : i32 to index
        %get3A_307 = arith.constant 16 : index
        %get3A_308 = tpu.vector_load %arg8[%get3A_306, %get3A_307] {strides = array<i32>} : memref<200x64xf32, #tpu.memory_space<vmem>>, vector<1x16xf32>,
        %get3A_309 = vector.shape_cast %get3A_308 : vector<1x16xf32> to vector<16xf32>
        %add3A_310 = arith.addf %scan3A_295, %get3A_309 : vector<16xf32>
        %get3A_311 = arith.index_cast %add3A_301 : i32 to index
        %get3A_312 = arith.constant 32 : index
        %get3A_313 = tpu.vector_load %arg8[%get3A_311, %get3A_312] {strides = array<i32>} : memref<200x64xf32, #tpu.memory_space<vmem>>, vector<1x16xf32>,
        %get3A_314 = vector.shape_cast %get3A_313 : vector<1x16xf32> to vector<16xf32>
        %add3A_315 = arith.addf %scan3A_296, %get3A_314 : vector<16xf32>
        %get3A_316 = arith.index_cast %add3A_301 : i32 to index
        %get3A_317 = arith.constant 48 : index
        %get3A_318 = tpu.vector_load %arg8[%get3A_316, %get3A_317] {strides = array<i32>} : memref<200x64xf32, #tpu.memory_space<vmem>>, vector<1x16xf32>,
        %get3A_319 = vector.shape_cast %get3A_318 : vector<1x16xf32> to vector<16xf32>
        %add3A_320 = arith.addf %scan3A_297, %get3A_319 : vector<16xf32>
        %mul3A_321 = arith.constant 8 : i32
        %mul3A_322 = arith.muli %scan3A_293, %mul3A_321 : i32
        %add3A_323 = arith.constant 1 : i32
        %add3A_324 = arith.addi %mul3A_322, %add3A_323 : i32
        %get3A_325 = arith.index_cast %add3A_324 : i32 to index
        %get3A_326 = arith.constant 0 : index
        %get3A_327 = tpu.vector_load %arg8[%get3A_325, %get3A_326] {strides = array<i32>} : memref<200x64xf32, #tpu.memory_space<vmem>>, vector<1x16xf32>,
        %get3A_328 = vector.shape_cast %get3A_327 : vector<1x16xf32> to vector<16xf32>
        %add3A_329 = arith.addf %add3A_305, %get3A_328 : vector<16xf32>
        %get3A_330 = arith.index_cast %add3A_324 : i32 to index
        %get3A_331 = arith.constant 16 : index
        %get3A_332 = tpu.vector_load %arg8[%get3A_330, %get3A_331] {strides = array<i32>} : memref<200x64xf32, #tpu.memory_space<vmem>>, vector<1x16xf32>,
        %get3A_333 = vector.shape_cast %get3A_332 : vector<1x16xf32> to vector<16xf32>
        %add3A_334 = arith.addf %add3A_310, %get3A_333 : vector<16xf32>
        %get3A_335 = arith.index_cast %add3A_324 : i32 to index
        %get3A_336 = arith.constant 32 : index
        %get3A_337 = tpu.vector_load %arg8[%get3A_335, %get3A_336] {strides = array<i32>} : memref<200x64xf32, #tpu.memory_space<vmem>>, vector<1x16xf32>,
        %get3A_338 = vector.shape_cast %get3A_337 : vector<1x16xf32> to vector<16xf32>
        %add3A_339 = arith.addf %add3A_315, %get3A_338 : vector<16xf32>
        %get3A_340 = arith.index_cast %add3A_324 : i32 to index
        %get3A_341 = arith.constant 48 : index
        %get3A_342 = tpu.vector_load %arg8[%get3A_340, %get3A_341] {strides = array<i32>} : memref<200x64xf32, #tpu.memory_space<vmem>>, vector<1x16xf32>,
        %get3A_343 = vector.shape_cast %get3A_342 : vector<1x16xf32> to vector<16xf32>
        %add3A_344 = arith.addf %add3A_320, %get3A_343 : vector<16xf32>
        %mul3A_345 = arith.constant 8 : i32
        %mul3A_346 = arith.muli %scan3A_293, %mul3A_345 : i32
        %add3A_347 = arith.constant 2 : i32
        %add3A_348 = arith.addi %mul3A_346, %add3A_347 : i32
        %get3A_349 = arith.index_cast %add3A_348 : i32 to index
        %get3A_350 = arith.constant 0 : index
        %get3A_351 = tpu.vector_load %arg8[%get3A_349, %get3A_350] {strides = array<i32>} : memref<200x64xf32, #tpu.memory_space<vmem>>, vector<1x16xf32>,
        %get3A_352 = vector.shape_cast %get3A_351 : vector<1x16xf32> to vector<16xf32>
        %add3A_353 = arith.addf %add3A_329, %get3A_352 : vector<16xf32>
        %get3A_354 = arith.index_cast %add3A_348 : i32 to index
        %get3A_355 = arith.constant 16 : index
        %get3A_356 = tpu.vector_load %arg8[%get3A_354, %get3A_355] {strides = array<i32>} : memref<200x64xf32, #tpu.memory_space<vmem>>, vector<1x16xf32>,
        %get3A_357 = vector.shape_cast %get3A_356 : vector<1x16xf32> to vector<16xf32>
        %add3A_358 = arith.addf %add3A_334, %get3A_357 : vector<16xf32>
        %get3A_359 = arith.index_cast %add3A_348 : i32 to index
        %get3A_360 = arith.constant 32 : index
        %get3A_361 = tpu.vector_load %arg8[%get3A_359, %get3A_360] {strides = array<i32>} : memref<200x64xf32, #tpu.memory_space<vmem>>, vector<1x16xf32>,
        %get3A_362 = vector.shape_cast %get3A_361 : vector<1x16xf32> to vector<16xf32>
        %add3A_363 = arith.addf %add3A_339, %get3A_362 : vector<16xf32>
        %get3A_364 = arith.index_cast %add3A_348 : i32 to index
        %get3A_365 = arith.constant 48 : index
        %get3A_366 = tpu.vector_load %arg8[%get3A_364, %get3A_365] {strides = array<i32>} : memref<200x64xf32, #tpu.memory_space<vmem>>, vector<1x16xf32>,
        %get3A_367 = vector.shape_cast %get3A_366 : vector<1x16xf32> to vector<16xf32>
        %add3A_368 = arith.addf %add3A_344, %get3A_367 : vector<16xf32>
        %mul3A_369 = arith.constant 8 : i32
        %mul3A_370 = arith.muli %scan3A_293, %mul3A_369 : i32
        %add3A_371 = arith.constant 3 : i32
        %add3A_372 = arith.addi %mul3A_370, %add3A_371 : i32
        %get3A_373 = arith.index_cast %add3A_372 : i32 to index
        %get3A_374 = arith.constant 0 : index
        %get3A_375 = tpu.vector_load %arg8[%get3A_373, %get3A_374] {strides = array<i32>} : memref<200x64xf32, #tpu.memory_space<vmem>>, vector<1x16xf32>,
        %get3A_376 = vector.shape_cast %get3A_375 : vector<1x16xf32> to vector<16xf32>
        %add3A_377 = arith.addf %add3A_353, %get3A_376 : vector<16xf32>
        %get3A_378 = arith.index_cast %add3A_372 : i32 to index
        %get3A_379 = arith.constant 16 : index
        %get3A_380 = tpu.vector_load %arg8[%get3A_378, %get3A_379] {strides = array<i32>} : memref<200x64xf32, #tpu.memory_space<vmem>>, vector<1x16xf32>,
        %get3A_381 = vector.shape_cast %get3A_380 : vector<1x16xf32> to vector<16xf32>
        %add3A_382 = arith.addf %add3A_358, %get3A_381 : vector<16xf32>
        %get3A_383 = arith.index_cast %add3A_372 : i32 to index
        %get3A_384 = arith.constant 32 : index
        %get3A_385 = tpu.vector_load %arg8[%get3A_383, %get3A_384] {strides = array<i32>} : memref<200x64xf32, #tpu.memory_space<vmem>>, vector<1x16xf32>,
        %get3A_386 = vector.shape_cast %get3A_385 : vector<1x16xf32> to vector<16xf32>
        %add3A_387 = arith.addf %add3A_363, %get3A_386 : vector<16xf32>
        %get3A_388 = arith.index_cast %add3A_372 : i32 to index
        %get3A_389 = arith.constant 48 : index
        %get3A_390 = tpu.vector_load %arg8[%get3A_388, %get3A_389] {strides = array<i32>} : memref<200x64xf32, #tpu.memory_space<vmem>>, vector<1x16xf32>,
        %get3A_391 = vector.shape_cast %get3A_390 : vector<1x16xf32> to vector<16xf32>
        %add3A_392 = arith.addf %add3A_368, %get3A_391 : vector<16xf32>
        %mul3A_393 = arith.constant 8 : i32
        %mul3A_394 = arith.muli %scan3A_293, %mul3A_393 : i32
        %add3A_395 = arith.constant 4 : i32
        %add3A_396 = arith.addi %mul3A_394, %add3A_395 : i32
        %get3A_397 = arith.index_cast %add3A_396 : i32 to index
        %get3A_398 = arith.constant 0 : index
        %get3A_399 = tpu.vector_load %arg8[%get3A_397, %get3A_398] {strides = array<i32>} : memref<200x64xf32, #tpu.memory_space<vmem>>, vector<1x16xf32>,
        %get3A_400 = vector.shape_cast %get3A_399 : vector<1x16xf32> to vector<16xf32>
        %add3A_401 = arith.addf %add3A_377, %get3A_400 : vector<16xf32>
        %get3A_402 = arith.index_cast %add3A_396 : i32 to index
        %get3A_403 = arith.constant 16 : index
        %get3A_404 = tpu.vector_load %arg8[%get3A_402, %get3A_403] {strides = array<i32>} : memref<200x64xf32, #tpu.memory_space<vmem>>, vector<1x16xf32>,
        %get3A_405 = vector.shape_cast %get3A_404 : vector<1x16xf32> to vector<16xf32>
        %add3A_406 = arith.addf %add3A_382, %get3A_405 : vector<16xf32>
        %get3A_407 = arith.index_cast %add3A_396 : i32 to index
        %get3A_408 = arith.constant 32 : index
        %get3A_409 = tpu.vector_load %arg8[%get3A_407, %get3A_408] {strides = array<i32>} : memref<200x64xf32, #tpu.memory_space<vmem>>, vector<1x16xf32>,
        %get3A_410 = vector.shape_cast %get3A_409 : vector<1x16xf32> to vector<16xf32>
        %add3A_411 = arith.addf %add3A_387, %get3A_410 : vector<16xf32>
        %get3A_412 = arith.index_cast %add3A_396 : i32 to index
        %get3A_413 = arith.constant 48 : index
        %get3A_414 = tpu.vector_load %arg8[%get3A_412, %get3A_413] {strides = array<i32>} : memref<200x64xf32, #tpu.memory_space<vmem>>, vector<1x16xf32>,
        %get3A_415 = vector.shape_cast %get3A_414 : vector<1x16xf32> to vector<16xf32>
        %add3A_416 = arith.addf %add3A_392, %get3A_415 : vector<16xf32>
        %mul3A_417 = arith.constant 8 : i32
        %mul3A_418 = arith.muli %scan3A_293, %mul3A_417 : i32
        %add3A_419 = arith.constant 5 : i32
        %add3A_420 = arith.addi %mul3A_418, %add3A_419 : i32
        %get3A_421 = arith.index_cast %add3A_420 : i32 to index
        %get3A_422 = arith.constant 0 : index
        %get3A_423 = tpu.vector_load %arg8[%get3A_421, %get3A_422] {strides = array<i32>} : memref<200x64xf32, #tpu.memory_space<vmem>>, vector<1x16xf32>,
        %get3A_424 = vector.shape_cast %get3A_423 : vector<1x16xf32> to vector<16xf32>
        %add3A_425 = arith.addf %add3A_401, %get3A_424 : vector<16xf32>
        %get3A_426 = arith.index_cast %add3A_420 : i32 to index
        %get3A_427 = arith.constant 16 : index
        %get3A_428 = tpu.vector_load %arg8[%get3A_426, %get3A_427] {strides = array<i32>} : memref<200x64xf32, #tpu.memory_space<vmem>>, vector<1x16xf32>,
        %get3A_429 = vector.shape_cast %get3A_428 : vector<1x16xf32> to vector<16xf32>
        %add3A_430 = arith.addf %add3A_406, %get3A_429 : vector<16xf32>
        %get3A_431 = arith.index_cast %add3A_420 : i32 to index
        %get3A_432 = arith.constant 32 : index
        %get3A_433 = tpu.vector_load %arg8[%get3A_431, %get3A_432] {strides = array<i32>} : memref<200x64xf32, #tpu.memory_space<vmem>>, vector<1x16xf32>,
        %get3A_434 = vector.shape_cast %get3A_433 : vector<1x16xf32> to vector<16xf32>
        %add3A_435 = arith.addf %add3A_411, %get3A_434 : vector<16xf32>
        %get3A_436 = arith.index_cast %add3A_420 : i32 to index
        %get3A_437 = arith.constant 48 : index
        %get3A_438 = tpu.vector_load %arg8[%get3A_436, %get3A_437] {strides = array<i32>} : memref<200x64xf32, #tpu.memory_space<vmem>>, vector<1x16xf32>,
        %get3A_439 = vector.shape_cast %get3A_438 : vector<1x16xf32> to vector<16xf32>
        %add3A_440 = arith.addf %add3A_416, %get3A_439 : vector<16xf32>
        %mul3A_441 = arith.constant 8 : i32
        %mul3A_442 = arith.muli %scan3A_293, %mul3A_441 : i32
        %add3A_443 = arith.constant 6 : i32
        %add3A_444 = arith.addi %mul3A_442, %add3A_443 : i32
        %get3A_445 = arith.index_cast %add3A_444 : i32 to index
        %get3A_446 = arith.constant 0 : index
        %get3A_447 = tpu.vector_load %arg8[%get3A_445, %get3A_446] {strides = array<i32>} : memref<200x64xf32, #tpu.memory_space<vmem>>, vector<1x16xf32>,
        %get3A_448 = vector.shape_cast %get3A_447 : vector<1x16xf32> to vector<16xf32>
        %add3A_449 = arith.addf %add3A_425, %get3A_448 : vector<16xf32>
        %get3A_450 = arith.index_cast %add3A_444 : i32 to index
        %get3A_451 = arith.constant 16 : index
        %get3A_452 = tpu.vector_load %arg8[%get3A_450, %get3A_451] {strides = array<i32>} : memref<200x64xf32, #tpu.memory_space<vmem>>, vector<1x16xf32>,
        %get3A_453 = vector.shape_cast %get3A_452 : vector<1x16xf32> to vector<16xf32>
        %add3A_454 = arith.addf %add3A_430, %get3A_453 : vector<16xf32>
        %get3A_455 = arith.index_cast %add3A_444 : i32 to index
        %get3A_456 = arith.constant 32 : index
        %get3A_457 = tpu.vector_load %arg8[%get3A_455, %get3A_456] {strides = array<i32>} : memref<200x64xf32, #tpu.memory_space<vmem>>, vector<1x16xf32>,
        %get3A_458 = vector.shape_cast %get3A_457 : vector<1x16xf32> to vector<16xf32>
        %add3A_459 = arith.addf %add3A_435, %get3A_458 : vector<16xf32>
        %get3A_460 = arith.index_cast %add3A_444 : i32 to index
        %get3A_461 = arith.constant 48 : index
        %get3A_462 = tpu.vector_load %arg8[%get3A_460, %get3A_461] {strides = array<i32>} : memref<200x64xf32, #tpu.memory_space<vmem>>, vector<1x16xf32>,
        %get3A_463 = vector.shape_cast %get3A_462 : vector<1x16xf32> to vector<16xf32>
        %add3A_464 = arith.addf %add3A_440, %get3A_463 : vector<16xf32>
        %mul3A_465 = arith.constant 8 : i32
        %mul3A_466 = arith.muli %scan3A_293, %mul3A_465 : i32
        %add3A_467 = arith.constant 7 : i32
        %add3A_468 = arith.addi %mul3A_466, %add3A_467 : i32
        %get3A_469 = arith.index_cast %add3A_468 : i32 to index
        %get3A_470 = arith.constant 0 : index
        %get3A_471 = tpu.vector_load %arg8[%get3A_469, %get3A_470] {strides = array<i32>} : memref<200x64xf32, #tpu.memory_space<vmem>>, vector<1x16xf32>,
        %get3A_472 = vector.shape_cast %get3A_471 : vector<1x16xf32> to vector<16xf32>
        %add3A_473 = arith.addf %add3A_449, %get3A_472 : vector<16xf32>
        %get3A_474 = arith.index_cast %add3A_468 : i32 to index
        %get3A_475 = arith.constant 16 : index
        %get3A_476 = tpu.vector_load %arg8[%get3A_474, %get3A_475] {strides = array<i32>} : memref<200x64xf32, #tpu.memory_space<vmem>>, vector<1x16xf32>,
        %get3A_477 = vector.shape_cast %get3A_476 : vector<1x16xf32> to vector<16xf32>
        %add3A_478 = arith.addf %add3A_454, %get3A_477 : vector<16xf32>
        %get3A_479 = arith.index_cast %add3A_468 : i32 to index
        %get3A_480 = arith.constant 32 : index
        %get3A_481 = tpu.vector_load %arg8[%get3A_479, %get3A_480] {strides = array<i32>} : memref<200x64xf32, #tpu.memory_space<vmem>>, vector<1x16xf32>,
        %get3A_482 = vector.shape_cast %get3A_481 : vector<1x16xf32> to vector<16xf32>
        %add3A_483 = arith.addf %add3A_459, %get3A_482 : vector<16xf32>
        %get3A_484 = arith.index_cast %add3A_468 : i32 to index
        %get3A_485 = arith.constant 48 : index
        %get3A_486 = tpu.vector_load %arg8[%get3A_484, %get3A_485] {strides = array<i32>} : memref<200x64xf32, #tpu.memory_space<vmem>>, vector<1x16xf32>,
        %get3A_487 = vector.shape_cast %get3A_486 : vector<1x16xf32> to vector<16xf32>
        %add3A_488 = arith.addf %add3A_464, %get3A_487 : vector<16xf32>
        scf.yield %add3A_473, %add3A_478, %add3A_483, %add3A_488 : vector<16xf32>, vector<16xf32>, vector<16xf32>, vector<16xf32>
      }
      %scan3A_107 = arith.constant 25 : i32
      %swap3A = arith.index_cast %add3A_81 : i32 to index
      %swap3A_108 = arith.constant 0 : index
      %swap3A_109 = tpu.vector_load %arg12[%swap3A, %swap3A_108] {strides = array<i32>} : memref<128x64xf32, #tpu.memory_space<vmem>>, vector<1x16xf32>,
      %swap3A_110 = vector.shape_cast %swap3A_109 : vector<1x16xf32> to vector<16xf32>
      %swap3A_111 = vector.shape_cast %scan3A_106#0 : vector<16xf32> to vector<1x16xf32>
      tpu.vector_store %arg12[%swap3A, %swap3A_108], %swap3A_111 {strides = array<i32>} : memref<128x64xf32, #tpu.memory_space<vmem>>, vector<1x16xf32>,
      %swap3A_112 = arith.index_cast %add3A_81 : i32 to index
      %swap3A_113 = arith.constant 16 : index
      %swap3A_114 = tpu.vector_load %arg12[%swap3A_112, %swap3A_113] {strides = array<i32>} : memref<128x64xf32, #tpu.memory_space<vmem>>, vector<1x16xf32>,
      %swap3A_115 = vector.shape_cast %swap3A_114 : vector<1x16xf32> to vector<16xf32>
      %swap3A_116 = vector.shape_cast %scan3A_106#1 : vector<16xf32> to vector<1x16xf32>
      tpu.vector_store %arg12[%swap3A_112, %swap3A_113], %swap3A_116 {strides = array<i32>} : memref<128x64xf32, #tpu.memory_space<vmem>>, vector<1x16xf32>,
      %swap3A_117 = arith.index_cast %add3A_81 : i32 to index
      %swap3A_118 = arith.constant 32 : index
      %swap3A_119 = tpu.vector_load %arg12[%swap3A_117, %swap3A_118] {strides = array<i32>} : memref<128x64xf32, #tpu.memory_space<vmem>>, vector<1x16xf32>,
      %swap3A_120 = vector.shape_cast %swap3A_119 : vector<1x16xf32> to vector<16xf32>
      %swap3A_121 = vector.shape_cast %scan3A_106#2 : vector<16xf32> to vector<1x16xf32>
      tpu.vector_store %arg12[%swap3A_117, %swap3A_118], %swap3A_121 {strides = array<i32>} : memref<128x64xf32, #tpu.memory_space<vmem>>, vector<1x16xf32>,
      %swap3A_122 = arith.index_cast %add3A_81 : i32 to index
      %swap3A_123 = arith.constant 48 : index
      %swap3A_124 = tpu.vector_load %arg12[%swap3A_122, %swap3A_123] {strides = array<i32>} : memref<128x64xf32, #tpu.memory_space<vmem>>, vector<1x16xf32>,
      %swap3A_125 = vector.shape_cast %swap3A_124 : vector<1x16xf32> to vector<16xf32>
      %swap3A_126 = vector.shape_cast %scan3A_106#3 : vector<16xf32> to vector<1x16xf32>
      tpu.vector_store %arg12[%swap3A_122, %swap3A_123], %swap3A_126 {strides = array<i32>} : memref<128x64xf32, #tpu.memory_space<vmem>>, vector<1x16xf32>,
      %mul3A_127 = arith.constant 4 : i32
      %mul3A_128 = arith.muli %mul3A_127, %scan3A_76 : i32
      %add3A_129 = arith.constant 1 : i32
      %add3A_130 = arith.addi %mul3A_128, %add3A_129 : i32
      %dma_wait3A_131 = arith.constant 0 : i32
      %dma_wait3A_132 = arith.constant 0 : i32
      %dma_wait3A_133 = tpu.memref_slice %arg9[%dma_wait3A_131, %dma_wait3A_132] : memref<200x64xf32, #tpu.memory_space<vmem>> -> memref<128x64xf32, #tpu.memory_space<vmem>>
      %dma_wait3A_134 = arith.constant 0 : i32
      %dma_wait3A_135 = tpu.memref_slice %arg6[%dma_wait3A_134] : memref<16384xi32, #tpu.memory_space<vmem>> -> memref<128xi32, #tpu.memory_space<vmem>>
      %dma_wait3A_136 = arith.constant 0 : i32
      %dma_wait3A_137 = arith.constant 0 : i32
      %dma_wait3A_138 = tpu.memref_slice %arg4[%dma_wait3A_136, %dma_wait3A_137] : memref<1000000x64xf32, #tpu.memory_space<hbm>> -> memref<1000000x64xf32, #tpu.memory_space<hbm>>
      tpu.wait_indirect_dma semaphore(%arg14 : memref<!tpu.dma_semaphore, #tpu.memory_space<semaphore_mem>>) src(%dma_wait3A_138 : memref<1000000x64xf32, #tpu.memory_space<hbm>>) dst(%dma_wait3A_133 : memref<128x64xf32, #tpu.memory_space<vmem>>)
      %dma_wait3A_139 = arith.constant 128 : i32
      %dma_wait3A_140 = arith.constant 0 : i32
      %dma_wait3A_141 = tpu.memref_slice %arg9[%dma_wait3A_139, %dma_wait3A_140] : memref<200x64xf32, #tpu.memory_space<vmem>> -> memref<72x64xf32, #tpu.memory_space<vmem>>
      %dma_wait3A_142 = arith.constant 0 : i32
      %dma_wait3A_143 = tpu.memref_slice %arg7[%dma_wait3A_142] : memref<16384xi32, #tpu.memory_space<vmem>> -> memref<72xi32, #tpu.memory_space<vmem>>
      %dma_wait3A_144 = arith.constant 0 : i32
      %dma_wait3A_145 = arith.constant 0 : i32
      %dma_wait3A_146 = tpu.memref_slice %arg4[%dma_wait3A_144, %dma_wait3A_145] : memref<1000000x64xf32, #tpu.memory_space<hbm>> -> memref<1000000x64xf32, #tpu.memory_space<hbm>>
      tpu.wait_indirect_dma semaphore(%arg14 : memref<!tpu.dma_semaphore, #tpu.memory_space<semaphore_mem>>) src(%dma_wait3A_146 : memref<1000000x64xf32, #tpu.memory_space<hbm>>) dst(%dma_wait3A_141 : memref<72x64xf32, #tpu.memory_space<vmem>>)
      %add3A_147 = arith.constant 4 : i32
      %add3A_148 = arith.addi %add3A_130, %add3A_147 : i32
      %lt3A_149 = arith.constant 128 : i32
      %lt3A_150 = arith.cmpi slt, %add3A_148, %lt3A_149 : i32
      %convert_element_type3A_151 = arith.extui %lt3A_150 : i1 to i32
      %cond3A_152 = arith.constant 0 : i32
      %cond3A_153 = arith.cmpi ne, %convert_element_type3A_151, %cond3A_152 : i32
      scf.if %cond3A_153 {
        %add3A_293 = arith.constant 4 : i32
        %add3A_294 = arith.addi %add3A_130, %add3A_293 : i32
        %mul3A_295 = arith.constant 128 : i32
        %mul3A_296 = arith.muli %add3A_294, %mul3A_295 : i32
        %dma_start3A_297 = arith.constant 0 : i32
        %dma_start3A_298 = arith.constant 0 : i32
        %dma_start3A_299 = tpu.memref_slice %arg9[%dma_start3A_297, %dma_start3A_298] : memref<200x64xf32, #tpu.memory_space<vmem>> -> memref<128x64xf32, #tpu.memory_space<vmem>>
        %dma_start3A_300 = tpu.memref_slice %arg6[%mul3A_296] : memref<16384xi32, #tpu.memory_space<vmem>> -> memref<128xi32, #tpu.memory_space<vmem>>
        %dma_start3A_301 = arith.constant 0 : i32
        %dma_start3A_302 = arith.constant 0 : i32
        %dma_start3A_303 = tpu.memref_slice %arg4[%dma_start3A_301, %dma_start3A_302] : memref<1000000x64xf32, #tpu.memory_space<hbm>> -> memref<1000000x64xf32, #tpu.memory_space<hbm>>
        tpu.enqueue_indirect_dma source(%dma_start3A_303 : memref<1000000x64xf32, #tpu.memory_space<hbm>>) target(%dma_start3A_299 : memref<128x64xf32, #tpu.memory_space<vmem>>) offsets(%dma_start3A_300 : memref<128xi32, #tpu.memory_space<vmem>>) semaphore(%arg14 : memref<!tpu.dma_semaphore, #tpu.memory_space<semaphore_mem>>)
        %mul3A_304 = arith.constant 128 : i32
        %mul3A_305 = arith.muli %add3A_294, %mul3A_304 : i32
        %dma_start3A_306 = arith.constant 128 : i32
        %dma_start3A_307 = arith.constant 0 : i32
        %dma_start3A_308 = tpu.memref_slice %arg9[%dma_start3A_306, %dma_start3A_307] : memref<200x64xf32, #tpu.memory_space<vmem>> -> memref<72x64xf32, #tpu.memory_space<vmem>>
        %dma_start3A_309 = tpu.memref_slice %arg7[%mul3A_305] : memref<16384xi32, #tpu.memory_space<vmem>> -> memref<72xi32, #tpu.memory_space<vmem>>
        %dma_start3A_310 = arith.constant 0 : i32
        %dma_start3A_311 = arith.constant 0 : i32
        %dma_start3A_312 = tpu.memref_slice %arg4[%dma_start3A_310, %dma_start3A_311] : memref<1000000x64xf32, #tpu.memory_space<hbm>> -> memref<1000000x64xf32, #tpu.memory_space<hbm>>
        tpu.enqueue_indirect_dma source(%dma_start3A_312 : memref<1000000x64xf32, #tpu.memory_space<hbm>>) target(%dma_start3A_308 : memref<72x64xf32, #tpu.memory_space<vmem>>) offsets(%dma_start3A_309 : memref<72xi32, #tpu.memory_space<vmem>>) semaphore(%arg14 : memref<!tpu.dma_semaphore, #tpu.memory_space<semaphore_mem>>)
      } else {
      }
      %broadcast_in_dim3A_154 = arith.constant 0.000000e+00 : f32
      %broadcast_in_dim3A_155 = vector.broadcast %broadcast_in_dim3A_154 : f32 to vector<16xf32>
      %scan3A_156 = arith.constant 0 : i32
      %scan3A_157 = arith.constant 25 : i32
      %scan3A_158 = arith.addi %scan3A_156, %scan3A_157 : i32
      %scan3A_159 = arith.constant 1 : i32
      %scan3A_160:4 = scf.for %scan3A_293 = %scan3A_156 to %scan3A_158 step %scan3A_159 iter_args(%scan3A_294 = %broadcast_in_dim3A_155, %scan3A_295 = %broadcast_in_dim3A_155, %scan3A_296 = %broadcast_in_dim3A_155, %scan3A_297 = %broadcast_in_dim3A_155) -> (vector<16xf32>, vector<16xf32>, vector<16xf32>, vector<16xf32>)  : i32 {
        %mul3A_298 = arith.constant 8 : i32
        %mul3A_299 = arith.muli %scan3A_293, %mul3A_298 : i32
        %add3A_300 = arith.constant 0 : i32
        %add3A_301 = arith.addi %mul3A_299, %add3A_300 : i32
        %get3A = arith.index_cast %add3A_301 : i32 to index
        %get3A_302 = arith.constant 0 : index
        %get3A_303 = tpu.vector_load %arg9[%get3A, %get3A_302] {strides = array<i32>} : memref<200x64xf32, #tpu.memory_space<vmem>>, vector<1x16xf32>,
        %get3A_304 = vector.shape_cast %get3A_303 : vector<1x16xf32> to vector<16xf32>
        %add3A_305 = arith.addf %scan3A_294, %get3A_304 : vector<16xf32>
        %get3A_306 = arith.index_cast %add3A_301 : i32 to index
        %get3A_307 = arith.constant 16 : index
        %get3A_308 = tpu.vector_load %arg9[%get3A_306, %get3A_307] {strides = array<i32>} : memref<200x64xf32, #tpu.memory_space<vmem>>, vector<1x16xf32>,
        %get3A_309 = vector.shape_cast %get3A_308 : vector<1x16xf32> to vector<16xf32>
        %add3A_310 = arith.addf %scan3A_295, %get3A_309 : vector<16xf32>
        %get3A_311 = arith.index_cast %add3A_301 : i32 to index
        %get3A_312 = arith.constant 32 : index
        %get3A_313 = tpu.vector_load %arg9[%get3A_311, %get3A_312] {strides = array<i32>} : memref<200x64xf32, #tpu.memory_space<vmem>>, vector<1x16xf32>,
        %get3A_314 = vector.shape_cast %get3A_313 : vector<1x16xf32> to vector<16xf32>
        %add3A_315 = arith.addf %scan3A_296, %get3A_314 : vector<16xf32>
        %get3A_316 = arith.index_cast %add3A_301 : i32 to index
        %get3A_317 = arith.constant 48 : index
        %get3A_318 = tpu.vector_load %arg9[%get3A_316, %get3A_317] {strides = array<i32>} : memref<200x64xf32, #tpu.memory_space<vmem>>, vector<1x16xf32>,
        %get3A_319 = vector.shape_cast %get3A_318 : vector<1x16xf32> to vector<16xf32>
        %add3A_320 = arith.addf %scan3A_297, %get3A_319 : vector<16xf32>
        %mul3A_321 = arith.constant 8 : i32
        %mul3A_322 = arith.muli %scan3A_293, %mul3A_321 : i32
        %add3A_323 = arith.constant 1 : i32
        %add3A_324 = arith.addi %mul3A_322, %add3A_323 : i32
        %get3A_325 = arith.index_cast %add3A_324 : i32 to index
        %get3A_326 = arith.constant 0 : index
        %get3A_327 = tpu.vector_load %arg9[%get3A_325, %get3A_326] {strides = array<i32>} : memref<200x64xf32, #tpu.memory_space<vmem>>, vector<1x16xf32>,
        %get3A_328 = vector.shape_cast %get3A_327 : vector<1x16xf32> to vector<16xf32>
        %add3A_329 = arith.addf %add3A_305, %get3A_328 : vector<16xf32>
        %get3A_330 = arith.index_cast %add3A_324 : i32 to index
        %get3A_331 = arith.constant 16 : index
        %get3A_332 = tpu.vector_load %arg9[%get3A_330, %get3A_331] {strides = array<i32>} : memref<200x64xf32, #tpu.memory_space<vmem>>, vector<1x16xf32>,
        %get3A_333 = vector.shape_cast %get3A_332 : vector<1x16xf32> to vector<16xf32>
        %add3A_334 = arith.addf %add3A_310, %get3A_333 : vector<16xf32>
        %get3A_335 = arith.index_cast %add3A_324 : i32 to index
        %get3A_336 = arith.constant 32 : index
        %get3A_337 = tpu.vector_load %arg9[%get3A_335, %get3A_336] {strides = array<i32>} : memref<200x64xf32, #tpu.memory_space<vmem>>, vector<1x16xf32>,
        %get3A_338 = vector.shape_cast %get3A_337 : vector<1x16xf32> to vector<16xf32>
        %add3A_339 = arith.addf %add3A_315, %get3A_338 : vector<16xf32>
        %get3A_340 = arith.index_cast %add3A_324 : i32 to index
        %get3A_341 = arith.constant 48 : index
        %get3A_342 = tpu.vector_load %arg9[%get3A_340, %get3A_341] {strides = array<i32>} : memref<200x64xf32, #tpu.memory_space<vmem>>, vector<1x16xf32>,
        %get3A_343 = vector.shape_cast %get3A_342 : vector<1x16xf32> to vector<16xf32>
        %add3A_344 = arith.addf %add3A_320, %get3A_343 : vector<16xf32>
        %mul3A_345 = arith.constant 8 : i32
        %mul3A_346 = arith.muli %scan3A_293, %mul3A_345 : i32
        %add3A_347 = arith.constant 2 : i32
        %add3A_348 = arith.addi %mul3A_346, %add3A_347 : i32
        %get3A_349 = arith.index_cast %add3A_348 : i32 to index
        %get3A_350 = arith.constant 0 : index
        %get3A_351 = tpu.vector_load %arg9[%get3A_349, %get3A_350] {strides = array<i32>} : memref<200x64xf32, #tpu.memory_space<vmem>>, vector<1x16xf32>,
        %get3A_352 = vector.shape_cast %get3A_351 : vector<1x16xf32> to vector<16xf32>
        %add3A_353 = arith.addf %add3A_329, %get3A_352 : vector<16xf32>
        %get3A_354 = arith.index_cast %add3A_348 : i32 to index
        %get3A_355 = arith.constant 16 : index
        %get3A_356 = tpu.vector_load %arg9[%get3A_354, %get3A_355] {strides = array<i32>} : memref<200x64xf32, #tpu.memory_space<vmem>>, vector<1x16xf32>,
        %get3A_357 = vector.shape_cast %get3A_356 : vector<1x16xf32> to vector<16xf32>
        %add3A_358 = arith.addf %add3A_334, %get3A_357 : vector<16xf32>
        %get3A_359 = arith.index_cast %add3A_348 : i32 to index
        %get3A_360 = arith.constant 32 : index
        %get3A_361 = tpu.vector_load %arg9[%get3A_359, %get3A_360] {strides = array<i32>} : memref<200x64xf32, #tpu.memory_space<vmem>>, vector<1x16xf32>,
        %get3A_362 = vector.shape_cast %get3A_361 : vector<1x16xf32> to vector<16xf32>
        %add3A_363 = arith.addf %add3A_339, %get3A_362 : vector<16xf32>
        %get3A_364 = arith.index_cast %add3A_348 : i32 to index
        %get3A_365 = arith.constant 48 : index
        %get3A_366 = tpu.vector_load %arg9[%get3A_364, %get3A_365] {strides = array<i32>} : memref<200x64xf32, #tpu.memory_space<vmem>>, vector<1x16xf32>,
        %get3A_367 = vector.shape_cast %get3A_366 : vector<1x16xf32> to vector<16xf32>
        %add3A_368 = arith.addf %add3A_344, %get3A_367 : vector<16xf32>
        %mul3A_369 = arith.constant 8 : i32
        %mul3A_370 = arith.muli %scan3A_293, %mul3A_369 : i32
        %add3A_371 = arith.constant 3 : i32
        %add3A_372 = arith.addi %mul3A_370, %add3A_371 : i32
        %get3A_373 = arith.index_cast %add3A_372 : i32 to index
        %get3A_374 = arith.constant 0 : index
        %get3A_375 = tpu.vector_load %arg9[%get3A_373, %get3A_374] {strides = array<i32>} : memref<200x64xf32, #tpu.memory_space<vmem>>, vector<1x16xf32>,
        %get3A_376 = vector.shape_cast %get3A_375 : vector<1x16xf32> to vector<16xf32>
        %add3A_377 = arith.addf %add3A_353, %get3A_376 : vector<16xf32>
        %get3A_378 = arith.index_cast %add3A_372 : i32 to index
        %get3A_379 = arith.constant 16 : index
        %get3A_380 = tpu.vector_load %arg9[%get3A_378, %get3A_379] {strides = array<i32>} : memref<200x64xf32, #tpu.memory_space<vmem>>, vector<1x16xf32>,
        %get3A_381 = vector.shape_cast %get3A_380 : vector<1x16xf32> to vector<16xf32>
        %add3A_382 = arith.addf %add3A_358, %get3A_381 : vector<16xf32>
        %get3A_383 = arith.index_cast %add3A_372 : i32 to index
        %get3A_384 = arith.constant 32 : index
        %get3A_385 = tpu.vector_load %arg9[%get3A_383, %get3A_384] {strides = array<i32>} : memref<200x64xf32, #tpu.memory_space<vmem>>, vector<1x16xf32>,
        %get3A_386 = vector.shape_cast %get3A_385 : vector<1x16xf32> to vector<16xf32>
        %add3A_387 = arith.addf %add3A_363, %get3A_386 : vector<16xf32>
        %get3A_388 = arith.index_cast %add3A_372 : i32 to index
        %get3A_389 = arith.constant 48 : index
        %get3A_390 = tpu.vector_load %arg9[%get3A_388, %get3A_389] {strides = array<i32>} : memref<200x64xf32, #tpu.memory_space<vmem>>, vector<1x16xf32>,
        %get3A_391 = vector.shape_cast %get3A_390 : vector<1x16xf32> to vector<16xf32>
        %add3A_392 = arith.addf %add3A_368, %get3A_391 : vector<16xf32>
        %mul3A_393 = arith.constant 8 : i32
        %mul3A_394 = arith.muli %scan3A_293, %mul3A_393 : i32
        %add3A_395 = arith.constant 4 : i32
        %add3A_396 = arith.addi %mul3A_394, %add3A_395 : i32
        %get3A_397 = arith.index_cast %add3A_396 : i32 to index
        %get3A_398 = arith.constant 0 : index
        %get3A_399 = tpu.vector_load %arg9[%get3A_397, %get3A_398] {strides = array<i32>} : memref<200x64xf32, #tpu.memory_space<vmem>>, vector<1x16xf32>,
        %get3A_400 = vector.shape_cast %get3A_399 : vector<1x16xf32> to vector<16xf32>
        %add3A_401 = arith.addf %add3A_377, %get3A_400 : vector<16xf32>
        %get3A_402 = arith.index_cast %add3A_396 : i32 to index
        %get3A_403 = arith.constant 16 : index
        %get3A_404 = tpu.vector_load %arg9[%get3A_402, %get3A_403] {strides = array<i32>} : memref<200x64xf32, #tpu.memory_space<vmem>>, vector<1x16xf32>,
        %get3A_405 = vector.shape_cast %get3A_404 : vector<1x16xf32> to vector<16xf32>
        %add3A_406 = arith.addf %add3A_382, %get3A_405 : vector<16xf32>
        %get3A_407 = arith.index_cast %add3A_396 : i32 to index
        %get3A_408 = arith.constant 32 : index
        %get3A_409 = tpu.vector_load %arg9[%get3A_407, %get3A_408] {strides = array<i32>} : memref<200x64xf32, #tpu.memory_space<vmem>>, vector<1x16xf32>,
        %get3A_410 = vector.shape_cast %get3A_409 : vector<1x16xf32> to vector<16xf32>
        %add3A_411 = arith.addf %add3A_387, %get3A_410 : vector<16xf32>
        %get3A_412 = arith.index_cast %add3A_396 : i32 to index
        %get3A_413 = arith.constant 48 : index
        %get3A_414 = tpu.vector_load %arg9[%get3A_412, %get3A_413] {strides = array<i32>} : memref<200x64xf32, #tpu.memory_space<vmem>>, vector<1x16xf32>,
        %get3A_415 = vector.shape_cast %get3A_414 : vector<1x16xf32> to vector<16xf32>
        %add3A_416 = arith.addf %add3A_392, %get3A_415 : vector<16xf32>
        %mul3A_417 = arith.constant 8 : i32
        %mul3A_418 = arith.muli %scan3A_293, %mul3A_417 : i32
        %add3A_419 = arith.constant 5 : i32
        %add3A_420 = arith.addi %mul3A_418, %add3A_419 : i32
        %get3A_421 = arith.index_cast %add3A_420 : i32 to index
        %get3A_422 = arith.constant 0 : index
        %get3A_423 = tpu.vector_load %arg9[%get3A_421, %get3A_422] {strides = array<i32>} : memref<200x64xf32, #tpu.memory_space<vmem>>, vector<1x16xf32>,
        %get3A_424 = vector.shape_cast %get3A_423 : vector<1x16xf32> to vector<16xf32>
        %add3A_425 = arith.addf %add3A_401, %get3A_424 : vector<16xf32>
        %get3A_426 = arith.index_cast %add3A_420 : i32 to index
        %get3A_427 = arith.constant 16 : index
        %get3A_428 = tpu.vector_load %arg9[%get3A_426, %get3A_427] {strides = array<i32>} : memref<200x64xf32, #tpu.memory_space<vmem>>, vector<1x16xf32>,
        %get3A_429 = vector.shape_cast %get3A_428 : vector<1x16xf32> to vector<16xf32>
        %add3A_430 = arith.addf %add3A_406, %get3A_429 : vector<16xf32>
        %get3A_431 = arith.index_cast %add3A_420 : i32 to index
        %get3A_432 = arith.constant 32 : index
        %get3A_433 = tpu.vector_load %arg9[%get3A_431, %get3A_432] {strides = array<i32>} : memref<200x64xf32, #tpu.memory_space<vmem>>, vector<1x16xf32>,
        %get3A_434 = vector.shape_cast %get3A_433 : vector<1x16xf32> to vector<16xf32>
        %add3A_435 = arith.addf %add3A_411, %get3A_434 : vector<16xf32>
        %get3A_436 = arith.index_cast %add3A_420 : i32 to index
        %get3A_437 = arith.constant 48 : index
        %get3A_438 = tpu.vector_load %arg9[%get3A_436, %get3A_437] {strides = array<i32>} : memref<200x64xf32, #tpu.memory_space<vmem>>, vector<1x16xf32>,
        %get3A_439 = vector.shape_cast %get3A_438 : vector<1x16xf32> to vector<16xf32>
        %add3A_440 = arith.addf %add3A_416, %get3A_439 : vector<16xf32>
        %mul3A_441 = arith.constant 8 : i32
        %mul3A_442 = arith.muli %scan3A_293, %mul3A_441 : i32
        %add3A_443 = arith.constant 6 : i32
        %add3A_444 = arith.addi %mul3A_442, %add3A_443 : i32
        %get3A_445 = arith.index_cast %add3A_444 : i32 to index
        %get3A_446 = arith.constant 0 : index
        %get3A_447 = tpu.vector_load %arg9[%get3A_445, %get3A_446] {strides = array<i32>} : memref<200x64xf32, #tpu.memory_space<vmem>>, vector<1x16xf32>,
        %get3A_448 = vector.shape_cast %get3A_447 : vector<1x16xf32> to vector<16xf32>
        %add3A_449 = arith.addf %add3A_425, %get3A_448 : vector<16xf32>
        %get3A_450 = arith.index_cast %add3A_444 : i32 to index
        %get3A_451 = arith.constant 16 : index
        %get3A_452 = tpu.vector_load %arg9[%get3A_450, %get3A_451] {strides = array<i32>} : memref<200x64xf32, #tpu.memory_space<vmem>>, vector<1x16xf32>,
        %get3A_453 = vector.shape_cast %get3A_452 : vector<1x16xf32> to vector<16xf32>
        %add3A_454 = arith.addf %add3A_430, %get3A_453 : vector<16xf32>
        %get3A_455 = arith.index_cast %add3A_444 : i32 to index
        %get3A_456 = arith.constant 32 : index
        %get3A_457 = tpu.vector_load %arg9[%get3A_455, %get3A_456] {strides = array<i32>} : memref<200x64xf32, #tpu.memory_space<vmem>>, vector<1x16xf32>,
        %get3A_458 = vector.shape_cast %get3A_457 : vector<1x16xf32> to vector<16xf32>
        %add3A_459 = arith.addf %add3A_435, %get3A_458 : vector<16xf32>
        %get3A_460 = arith.index_cast %add3A_444 : i32 to index
        %get3A_461 = arith.constant 48 : index
        %get3A_462 = tpu.vector_load %arg9[%get3A_460, %get3A_461] {strides = array<i32>} : memref<200x64xf32, #tpu.memory_space<vmem>>, vector<1x16xf32>,
        %get3A_463 = vector.shape_cast %get3A_462 : vector<1x16xf32> to vector<16xf32>
        %add3A_464 = arith.addf %add3A_440, %get3A_463 : vector<16xf32>
        %mul3A_465 = arith.constant 8 : i32
        %mul3A_466 = arith.muli %scan3A_293, %mul3A_465 : i32
        %add3A_467 = arith.constant 7 : i32
        %add3A_468 = arith.addi %mul3A_466, %add3A_467 : i32
        %get3A_469 = arith.index_cast %add3A_468 : i32 to index
        %get3A_470 = arith.constant 0 : index
        %get3A_471 = tpu.vector_load %arg9[%get3A_469, %get3A_470] {strides = array<i32>} : memref<200x64xf32, #tpu.memory_space<vmem>>, vector<1x16xf32>,
        %get3A_472 = vector.shape_cast %get3A_471 : vector<1x16xf32> to vector<16xf32>
        %add3A_473 = arith.addf %add3A_449, %get3A_472 : vector<16xf32>
        %get3A_474 = arith.index_cast %add3A_468 : i32 to index
        %get3A_475 = arith.constant 16 : index
        %get3A_476 = tpu.vector_load %arg9[%get3A_474, %get3A_475] {strides = array<i32>} : memref<200x64xf32, #tpu.memory_space<vmem>>, vector<1x16xf32>,
        %get3A_477 = vector.shape_cast %get3A_476 : vector<1x16xf32> to vector<16xf32>
        %add3A_478 = arith.addf %add3A_454, %get3A_477 : vector<16xf32>
        %get3A_479 = arith.index_cast %add3A_468 : i32 to index
        %get3A_480 = arith.constant 32 : index
        %get3A_481 = tpu.vector_load %arg9[%get3A_479, %get3A_480] {strides = array<i32>} : memref<200x64xf32, #tpu.memory_space<vmem>>, vector<1x16xf32>,
        %get3A_482 = vector.shape_cast %get3A_481 : vector<1x16xf32> to vector<16xf32>
        %add3A_483 = arith.addf %add3A_459, %get3A_482 : vector<16xf32>
        %get3A_484 = arith.index_cast %add3A_468 : i32 to index
        %get3A_485 = arith.constant 48 : index
        %get3A_486 = tpu.vector_load %arg9[%get3A_484, %get3A_485] {strides = array<i32>} : memref<200x64xf32, #tpu.memory_space<vmem>>, vector<1x16xf32>,
        %get3A_487 = vector.shape_cast %get3A_486 : vector<1x16xf32> to vector<16xf32>
        %add3A_488 = arith.addf %add3A_464, %get3A_487 : vector<16xf32>
        scf.yield %add3A_473, %add3A_478, %add3A_483, %add3A_488 : vector<16xf32>, vector<16xf32>, vector<16xf32>, vector<16xf32>
      }
      %scan3A_161 = arith.constant 25 : i32
      %swap3A_162 = arith.index_cast %add3A_130 : i32 to index
      %swap3A_163 = arith.constant 0 : index
      %swap3A_164 = tpu.vector_load %arg12[%swap3A_162, %swap3A_163] {strides = array<i32>} : memref<128x64xf32, #tpu.memory_space<vmem>>, vector<1x16xf32>,
      %swap3A_165 = vector.shape_cast %swap3A_164 : vector<1x16xf32> to vector<16xf32>
      %swap3A_166 = vector.shape_cast %scan3A_160#0 : vector<16xf32> to vector<1x16xf32>
      tpu.vector_store %arg12[%swap3A_162, %swap3A_163], %swap3A_166 {strides = array<i32>} : memref<128x64xf32, #tpu.memory_space<vmem>>, vector<1x16xf32>,
      %swap3A_167 = arith.index_cast %add3A_130 : i32 to index
      %swap3A_168 = arith.constant 16 : index
      %swap3A_169 = tpu.vector_load %arg12[%swap3A_167, %swap3A_168] {strides = array<i32>} : memref<128x64xf32, #tpu.memory_space<vmem>>, vector<1x16xf32>,
      %swap3A_170 = vector.shape_cast %swap3A_169 : vector<1x16xf32> to vector<16xf32>
      %swap3A_171 = vector.shape_cast %scan3A_160#1 : vector<16xf32> to vector<1x16xf32>
      tpu.vector_store %arg12[%swap3A_167, %swap3A_168], %swap3A_171 {strides = array<i32>} : memref<128x64xf32, #tpu.memory_space<vmem>>, vector<1x16xf32>,
      %swap3A_172 = arith.index_cast %add3A_130 : i32 to index
      %swap3A_173 = arith.constant 32 : index
      %swap3A_174 = tpu.vector_load %arg12[%swap3A_172, %swap3A_173] {strides = array<i32>} : memref<128x64xf32, #tpu.memory_space<vmem>>, vector<1x16xf32>,
      %swap3A_175 = vector.shape_cast %swap3A_174 : vector<1x16xf32> to vector<16xf32>
      %swap3A_176 = vector.shape_cast %scan3A_160#2 : vector<16xf32> to vector<1x16xf32>
      tpu.vector_store %arg12[%swap3A_172, %swap3A_173], %swap3A_176 {strides = array<i32>} : memref<128x64xf32, #tpu.memory_space<vmem>>, vector<1x16xf32>,
      %swap3A_177 = arith.index_cast %add3A_130 : i32 to index
      %swap3A_178 = arith.constant 48 : index
      %swap3A_179 = tpu.vector_load %arg12[%swap3A_177, %swap3A_178] {strides = array<i32>} : memref<128x64xf32, #tpu.memory_space<vmem>>, vector<1x16xf32>,
      %swap3A_180 = vector.shape_cast %swap3A_179 : vector<1x16xf32> to vector<16xf32>
      %swap3A_181 = vector.shape_cast %scan3A_160#3 : vector<16xf32> to vector<1x16xf32>
      tpu.vector_store %arg12[%swap3A_177, %swap3A_178], %swap3A_181 {strides = array<i32>} : memref<128x64xf32, #tpu.memory_space<vmem>>, vector<1x16xf32>,
      %mul3A_182 = arith.constant 4 : i32
      %mul3A_183 = arith.muli %mul3A_182, %scan3A_76 : i32
      %add3A_184 = arith.constant 2 : i32
      %add3A_185 = arith.addi %mul3A_183, %add3A_184 : i32
      %dma_wait3A_186 = arith.constant 0 : i32
      %dma_wait3A_187 = arith.constant 0 : i32
      %dma_wait3A_188 = tpu.memref_slice %arg10[%dma_wait3A_186, %dma_wait3A_187] : memref<200x64xf32, #tpu.memory_space<vmem>> -> memref<128x64xf32, #tpu.memory_space<vmem>>
      %dma_wait3A_189 = arith.constant 0 : i32
      %dma_wait3A_190 = tpu.memref_slice %arg6[%dma_wait3A_189] : memref<16384xi32, #tpu.memory_space<vmem>> -> memref<128xi32, #tpu.memory_space<vmem>>
      %dma_wait3A_191 = arith.constant 0 : i32
      %dma_wait3A_192 = arith.constant 0 : i32
      %dma_wait3A_193 = tpu.memref_slice %arg4[%dma_wait3A_191, %dma_wait3A_192] : memref<1000000x64xf32, #tpu.memory_space<hbm>> -> memref<1000000x64xf32, #tpu.memory_space<hbm>>
      tpu.wait_indirect_dma semaphore(%arg15 : memref<!tpu.dma_semaphore, #tpu.memory_space<semaphore_mem>>) src(%dma_wait3A_193 : memref<1000000x64xf32, #tpu.memory_space<hbm>>) dst(%dma_wait3A_188 : memref<128x64xf32, #tpu.memory_space<vmem>>)
      %dma_wait3A_194 = arith.constant 128 : i32
      %dma_wait3A_195 = arith.constant 0 : i32
      %dma_wait3A_196 = tpu.memref_slice %arg10[%dma_wait3A_194, %dma_wait3A_195] : memref<200x64xf32, #tpu.memory_space<vmem>> -> memref<72x64xf32, #tpu.memory_space<vmem>>
      %dma_wait3A_197 = arith.constant 0 : i32
      %dma_wait3A_198 = tpu.memref_slice %arg7[%dma_wait3A_197] : memref<16384xi32, #tpu.memory_space<vmem>> -> memref<72xi32, #tpu.memory_space<vmem>>
      %dma_wait3A_199 = arith.constant 0 : i32
      %dma_wait3A_200 = arith.constant 0 : i32
      %dma_wait3A_201 = tpu.memref_slice %arg4[%dma_wait3A_199, %dma_wait3A_200] : memref<1000000x64xf32, #tpu.memory_space<hbm>> -> memref<1000000x64xf32, #tpu.memory_space<hbm>>
      tpu.wait_indirect_dma semaphore(%arg15 : memref<!tpu.dma_semaphore, #tpu.memory_space<semaphore_mem>>) src(%dma_wait3A_201 : memref<1000000x64xf32, #tpu.memory_space<hbm>>) dst(%dma_wait3A_196 : memref<72x64xf32, #tpu.memory_space<vmem>>)
      %add3A_202 = arith.constant 4 : i32
      %add3A_203 = arith.addi %add3A_185, %add3A_202 : i32
      %lt3A_204 = arith.constant 128 : i32
      %lt3A_205 = arith.cmpi slt, %add3A_203, %lt3A_204 : i32
      %convert_element_type3A_206 = arith.extui %lt3A_205 : i1 to i32
      %cond3A_207 = arith.constant 0 : i32
      %cond3A_208 = arith.cmpi ne, %convert_element_type3A_206, %cond3A_207 : i32
      scf.if %cond3A_208 {
        %add3A_293 = arith.constant 4 : i32
        %add3A_294 = arith.addi %add3A_185, %add3A_293 : i32
        %mul3A_295 = arith.constant 128 : i32
        %mul3A_296 = arith.muli %add3A_294, %mul3A_295 : i32
        %dma_start3A_297 = arith.constant 0 : i32
        %dma_start3A_298 = arith.constant 0 : i32
        %dma_start3A_299 = tpu.memref_slice %arg10[%dma_start3A_297, %dma_start3A_298] : memref<200x64xf32, #tpu.memory_space<vmem>> -> memref<128x64xf32, #tpu.memory_space<vmem>>
        %dma_start3A_300 = tpu.memref_slice %arg6[%mul3A_296] : memref<16384xi32, #tpu.memory_space<vmem>> -> memref<128xi32, #tpu.memory_space<vmem>>
        %dma_start3A_301 = arith.constant 0 : i32
        %dma_start3A_302 = arith.constant 0 : i32
        %dma_start3A_303 = tpu.memref_slice %arg4[%dma_start3A_301, %dma_start3A_302] : memref<1000000x64xf32, #tpu.memory_space<hbm>> -> memref<1000000x64xf32, #tpu.memory_space<hbm>>
        tpu.enqueue_indirect_dma source(%dma_start3A_303 : memref<1000000x64xf32, #tpu.memory_space<hbm>>) target(%dma_start3A_299 : memref<128x64xf32, #tpu.memory_space<vmem>>) offsets(%dma_start3A_300 : memref<128xi32, #tpu.memory_space<vmem>>) semaphore(%arg15 : memref<!tpu.dma_semaphore, #tpu.memory_space<semaphore_mem>>)
        %mul3A_304 = arith.constant 128 : i32
        %mul3A_305 = arith.muli %add3A_294, %mul3A_304 : i32
        %dma_start3A_306 = arith.constant 128 : i32
        %dma_start3A_307 = arith.constant 0 : i32
        %dma_start3A_308 = tpu.memref_slice %arg10[%dma_start3A_306, %dma_start3A_307] : memref<200x64xf32, #tpu.memory_space<vmem>> -> memref<72x64xf32, #tpu.memory_space<vmem>>
        %dma_start3A_309 = tpu.memref_slice %arg7[%mul3A_305] : memref<16384xi32, #tpu.memory_space<vmem>> -> memref<72xi32, #tpu.memory_space<vmem>>
        %dma_start3A_310 = arith.constant 0 : i32
        %dma_start3A_311 = arith.constant 0 : i32
        %dma_start3A_312 = tpu.memref_slice %arg4[%dma_start3A_310, %dma_start3A_311] : memref<1000000x64xf32, #tpu.memory_space<hbm>> -> memref<1000000x64xf32, #tpu.memory_space<hbm>>
        tpu.enqueue_indirect_dma source(%dma_start3A_312 : memref<1000000x64xf32, #tpu.memory_space<hbm>>) target(%dma_start3A_308 : memref<72x64xf32, #tpu.memory_space<vmem>>) offsets(%dma_start3A_309 : memref<72xi32, #tpu.memory_space<vmem>>) semaphore(%arg15 : memref<!tpu.dma_semaphore, #tpu.memory_space<semaphore_mem>>)
      } else {
      }
      %broadcast_in_dim3A_209 = arith.constant 0.000000e+00 : f32
      %broadcast_in_dim3A_210 = vector.broadcast %broadcast_in_dim3A_209 : f32 to vector<16xf32>
      %scan3A_211 = arith.constant 0 : i32
      %scan3A_212 = arith.constant 25 : i32
      %scan3A_213 = arith.addi %scan3A_211, %scan3A_212 : i32
      %scan3A_214 = arith.constant 1 : i32
      %scan3A_215:4 = scf.for %scan3A_293 = %scan3A_211 to %scan3A_213 step %scan3A_214 iter_args(%scan3A_294 = %broadcast_in_dim3A_210, %scan3A_295 = %broadcast_in_dim3A_210, %scan3A_296 = %broadcast_in_dim3A_210, %scan3A_297 = %broadcast_in_dim3A_210) -> (vector<16xf32>, vector<16xf32>, vector<16xf32>, vector<16xf32>)  : i32 {
        %mul3A_298 = arith.constant 8 : i32
        %mul3A_299 = arith.muli %scan3A_293, %mul3A_298 : i32
        %add3A_300 = arith.constant 0 : i32
        %add3A_301 = arith.addi %mul3A_299, %add3A_300 : i32
        %get3A = arith.index_cast %add3A_301 : i32 to index
        %get3A_302 = arith.constant 0 : index
        %get3A_303 = tpu.vector_load %arg10[%get3A, %get3A_302] {strides = array<i32>} : memref<200x64xf32, #tpu.memory_space<vmem>>, vector<1x16xf32>,
        %get3A_304 = vector.shape_cast %get3A_303 : vector<1x16xf32> to vector<16xf32>
        %add3A_305 = arith.addf %scan3A_294, %get3A_304 : vector<16xf32>
        %get3A_306 = arith.index_cast %add3A_301 : i32 to index
        %get3A_307 = arith.constant 16 : index
        %get3A_308 = tpu.vector_load %arg10[%get3A_306, %get3A_307] {strides = array<i32>} : memref<200x64xf32, #tpu.memory_space<vmem>>, vector<1x16xf32>,
        %get3A_309 = vector.shape_cast %get3A_308 : vector<1x16xf32> to vector<16xf32>
        %add3A_310 = arith.addf %scan3A_295, %get3A_309 : vector<16xf32>
        %get3A_311 = arith.index_cast %add3A_301 : i32 to index
        %get3A_312 = arith.constant 32 : index
        %get3A_313 = tpu.vector_load %arg10[%get3A_311, %get3A_312] {strides = array<i32>} : memref<200x64xf32, #tpu.memory_space<vmem>>, vector<1x16xf32>,
        %get3A_314 = vector.shape_cast %get3A_313 : vector<1x16xf32> to vector<16xf32>
        %add3A_315 = arith.addf %scan3A_296, %get3A_314 : vector<16xf32>
        %get3A_316 = arith.index_cast %add3A_301 : i32 to index
        %get3A_317 = arith.constant 48 : index
        %get3A_318 = tpu.vector_load %arg10[%get3A_316, %get3A_317] {strides = array<i32>} : memref<200x64xf32, #tpu.memory_space<vmem>>, vector<1x16xf32>,
        %get3A_319 = vector.shape_cast %get3A_318 : vector<1x16xf32> to vector<16xf32>
        %add3A_320 = arith.addf %scan3A_297, %get3A_319 : vector<16xf32>
        %mul3A_321 = arith.constant 8 : i32
        %mul3A_322 = arith.muli %scan3A_293, %mul3A_321 : i32
        %add3A_323 = arith.constant 1 : i32
        %add3A_324 = arith.addi %mul3A_322, %add3A_323 : i32
        %get3A_325 = arith.index_cast %add3A_324 : i32 to index
        %get3A_326 = arith.constant 0 : index
        %get3A_327 = tpu.vector_load %arg10[%get3A_325, %get3A_326] {strides = array<i32>} : memref<200x64xf32, #tpu.memory_space<vmem>>, vector<1x16xf32>,
        %get3A_328 = vector.shape_cast %get3A_327 : vector<1x16xf32> to vector<16xf32>
        %add3A_329 = arith.addf %add3A_305, %get3A_328 : vector<16xf32>
        %get3A_330 = arith.index_cast %add3A_324 : i32 to index
        %get3A_331 = arith.constant 16 : index
        %get3A_332 = tpu.vector_load %arg10[%get3A_330, %get3A_331] {strides = array<i32>} : memref<200x64xf32, #tpu.memory_space<vmem>>, vector<1x16xf32>,
        %get3A_333 = vector.shape_cast %get3A_332 : vector<1x16xf32> to vector<16xf32>
        %add3A_334 = arith.addf %add3A_310, %get3A_333 : vector<16xf32>
        %get3A_335 = arith.index_cast %add3A_324 : i32 to index
        %get3A_336 = arith.constant 32 : index
        %get3A_337 = tpu.vector_load %arg10[%get3A_335, %get3A_336] {strides = array<i32>} : memref<200x64xf32, #tpu.memory_space<vmem>>, vector<1x16xf32>,
        %get3A_338 = vector.shape_cast %get3A_337 : vector<1x16xf32> to vector<16xf32>
        %add3A_339 = arith.addf %add3A_315, %get3A_338 : vector<16xf32>
        %get3A_340 = arith.index_cast %add3A_324 : i32 to index
        %get3A_341 = arith.constant 48 : index
        %get3A_342 = tpu.vector_load %arg10[%get3A_340, %get3A_341] {strides = array<i32>} : memref<200x64xf32, #tpu.memory_space<vmem>>, vector<1x16xf32>,
        %get3A_343 = vector.shape_cast %get3A_342 : vector<1x16xf32> to vector<16xf32>
        %add3A_344 = arith.addf %add3A_320, %get3A_343 : vector<16xf32>
        %mul3A_345 = arith.constant 8 : i32
        %mul3A_346 = arith.muli %scan3A_293, %mul3A_345 : i32
        %add3A_347 = arith.constant 2 : i32
        %add3A_348 = arith.addi %mul3A_346, %add3A_347 : i32
        %get3A_349 = arith.index_cast %add3A_348 : i32 to index
        %get3A_350 = arith.constant 0 : index
        %get3A_351 = tpu.vector_load %arg10[%get3A_349, %get3A_350] {strides = array<i32>} : memref<200x64xf32, #tpu.memory_space<vmem>>, vector<1x16xf32>,
        %get3A_352 = vector.shape_cast %get3A_351 : vector<1x16xf32> to vector<16xf32>
        %add3A_353 = arith.addf %add3A_329, %get3A_352 : vector<16xf32>
        %get3A_354 = arith.index_cast %add3A_348 : i32 to index
        %get3A_355 = arith.constant 16 : index
        %get3A_356 = tpu.vector_load %arg10[%get3A_354, %get3A_355] {strides = array<i32>} : memref<200x64xf32, #tpu.memory_space<vmem>>, vector<1x16xf32>,
        %get3A_357 = vector.shape_cast %get3A_356 : vector<1x16xf32> to vector<16xf32>
        %add3A_358 = arith.addf %add3A_334, %get3A_357 : vector<16xf32>
        %get3A_359 = arith.index_cast %add3A_348 : i32 to index
        %get3A_360 = arith.constant 32 : index
        %get3A_361 = tpu.vector_load %arg10[%get3A_359, %get3A_360] {strides = array<i32>} : memref<200x64xf32, #tpu.memory_space<vmem>>, vector<1x16xf32>,
        %get3A_362 = vector.shape_cast %get3A_361 : vector<1x16xf32> to vector<16xf32>
        %add3A_363 = arith.addf %add3A_339, %get3A_362 : vector<16xf32>
        %get3A_364 = arith.index_cast %add3A_348 : i32 to index
        %get3A_365 = arith.constant 48 : index
        %get3A_366 = tpu.vector_load %arg10[%get3A_364, %get3A_365] {strides = array<i32>} : memref<200x64xf32, #tpu.memory_space<vmem>>, vector<1x16xf32>,
        %get3A_367 = vector.shape_cast %get3A_366 : vector<1x16xf32> to vector<16xf32>
        %add3A_368 = arith.addf %add3A_344, %get3A_367 : vector<16xf32>
        %mul3A_369 = arith.constant 8 : i32
        %mul3A_370 = arith.muli %scan3A_293, %mul3A_369 : i32
        %add3A_371 = arith.constant 3 : i32
        %add3A_372 = arith.addi %mul3A_370, %add3A_371 : i32
        %get3A_373 = arith.index_cast %add3A_372 : i32 to index
        %get3A_374 = arith.constant 0 : index
        %get3A_375 = tpu.vector_load %arg10[%get3A_373, %get3A_374] {strides = array<i32>} : memref<200x64xf32, #tpu.memory_space<vmem>>, vector<1x16xf32>,
        %get3A_376 = vector.shape_cast %get3A_375 : vector<1x16xf32> to vector<16xf32>
        %add3A_377 = arith.addf %add3A_353, %get3A_376 : vector<16xf32>
        %get3A_378 = arith.index_cast %add3A_372 : i32 to index
        %get3A_379 = arith.constant 16 : index
        %get3A_380 = tpu.vector_load %arg10[%get3A_378, %get3A_379] {strides = array<i32>} : memref<200x64xf32, #tpu.memory_space<vmem>>, vector<1x16xf32>,
        %get3A_381 = vector.shape_cast %get3A_380 : vector<1x16xf32> to vector<16xf32>
        %add3A_382 = arith.addf %add3A_358, %get3A_381 : vector<16xf32>
        %get3A_383 = arith.index_cast %add3A_372 : i32 to index
        %get3A_384 = arith.constant 32 : index
        %get3A_385 = tpu.vector_load %arg10[%get3A_383, %get3A_384] {strides = array<i32>} : memref<200x64xf32, #tpu.memory_space<vmem>>, vector<1x16xf32>,
        %get3A_386 = vector.shape_cast %get3A_385 : vector<1x16xf32> to vector<16xf32>
        %add3A_387 = arith.addf %add3A_363, %get3A_386 : vector<16xf32>
        %get3A_388 = arith.index_cast %add3A_372 : i32 to index
        %get3A_389 = arith.constant 48 : index
        %get3A_390 = tpu.vector_load %arg10[%get3A_388, %get3A_389] {strides = array<i32>} : memref<200x64xf32, #tpu.memory_space<vmem>>, vector<1x16xf32>,
        %get3A_391 = vector.shape_cast %get3A_390 : vector<1x16xf32> to vector<16xf32>
        %add3A_392 = arith.addf %add3A_368, %get3A_391 : vector<16xf32>
        %mul3A_393 = arith.constant 8 : i32
        %mul3A_394 = arith.muli %scan3A_293, %mul3A_393 : i32
        %add3A_395 = arith.constant 4 : i32
        %add3A_396 = arith.addi %mul3A_394, %add3A_395 : i32
        %get3A_397 = arith.index_cast %add3A_396 : i32 to index
        %get3A_398 = arith.constant 0 : index
        %get3A_399 = tpu.vector_load %arg10[%get3A_397, %get3A_398] {strides = array<i32>} : memref<200x64xf32, #tpu.memory_space<vmem>>, vector<1x16xf32>,
        %get3A_400 = vector.shape_cast %get3A_399 : vector<1x16xf32> to vector<16xf32>
        %add3A_401 = arith.addf %add3A_377, %get3A_400 : vector<16xf32>
        %get3A_402 = arith.index_cast %add3A_396 : i32 to index
        %get3A_403 = arith.constant 16 : index
        %get3A_404 = tpu.vector_load %arg10[%get3A_402, %get3A_403] {strides = array<i32>} : memref<200x64xf32, #tpu.memory_space<vmem>>, vector<1x16xf32>,
        %get3A_405 = vector.shape_cast %get3A_404 : vector<1x16xf32> to vector<16xf32>
        %add3A_406 = arith.addf %add3A_382, %get3A_405 : vector<16xf32>
        %get3A_407 = arith.index_cast %add3A_396 : i32 to index
        %get3A_408 = arith.constant 32 : index
        %get3A_409 = tpu.vector_load %arg10[%get3A_407, %get3A_408] {strides = array<i32>} : memref<200x64xf32, #tpu.memory_space<vmem>>, vector<1x16xf32>,
        %get3A_410 = vector.shape_cast %get3A_409 : vector<1x16xf32> to vector<16xf32>
        %add3A_411 = arith.addf %add3A_387, %get3A_410 : vector<16xf32>
        %get3A_412 = arith.index_cast %add3A_396 : i32 to index
        %get3A_413 = arith.constant 48 : index
        %get3A_414 = tpu.vector_load %arg10[%get3A_412, %get3A_413] {strides = array<i32>} : memref<200x64xf32, #tpu.memory_space<vmem>>, vector<1x16xf32>,
        %get3A_415 = vector.shape_cast %get3A_414 : vector<1x16xf32> to vector<16xf32>
        %add3A_416 = arith.addf %add3A_392, %get3A_415 : vector<16xf32>
        %mul3A_417 = arith.constant 8 : i32
        %mul3A_418 = arith.muli %scan3A_293, %mul3A_417 : i32
        %add3A_419 = arith.constant 5 : i32
        %add3A_420 = arith.addi %mul3A_418, %add3A_419 : i32
        %get3A_421 = arith.index_cast %add3A_420 : i32 to index
        %get3A_422 = arith.constant 0 : index
        %get3A_423 = tpu.vector_load %arg10[%get3A_421, %get3A_422] {strides = array<i32>} : memref<200x64xf32, #tpu.memory_space<vmem>>, vector<1x16xf32>,
        %get3A_424 = vector.shape_cast %get3A_423 : vector<1x16xf32> to vector<16xf32>
        %add3A_425 = arith.addf %add3A_401, %get3A_424 : vector<16xf32>
        %get3A_426 = arith.index_cast %add3A_420 : i32 to index
        %get3A_427 = arith.constant 16 : index
        %get3A_428 = tpu.vector_load %arg10[%get3A_426, %get3A_427] {strides = array<i32>} : memref<200x64xf32, #tpu.memory_space<vmem>>, vector<1x16xf32>,
        %get3A_429 = vector.shape_cast %get3A_428 : vector<1x16xf32> to vector<16xf32>
        %add3A_430 = arith.addf %add3A_406, %get3A_429 : vector<16xf32>
        %get3A_431 = arith.index_cast %add3A_420 : i32 to index
        %get3A_432 = arith.constant 32 : index
        %get3A_433 = tpu.vector_load %arg10[%get3A_431, %get3A_432] {strides = array<i32>} : memref<200x64xf32, #tpu.memory_space<vmem>>, vector<1x16xf32>,
        %get3A_434 = vector.shape_cast %get3A_433 : vector<1x16xf32> to vector<16xf32>
        %add3A_435 = arith.addf %add3A_411, %get3A_434 : vector<16xf32>
        %get3A_436 = arith.index_cast %add3A_420 : i32 to index
        %get3A_437 = arith.constant 48 : index
        %get3A_438 = tpu.vector_load %arg10[%get3A_436, %get3A_437] {strides = array<i32>} : memref<200x64xf32, #tpu.memory_space<vmem>>, vector<1x16xf32>,
        %get3A_439 = vector.shape_cast %get3A_438 : vector<1x16xf32> to vector<16xf32>
        %add3A_440 = arith.addf %add3A_416, %get3A_439 : vector<16xf32>
        %mul3A_441 = arith.constant 8 : i32
        %mul3A_442 = arith.muli %scan3A_293, %mul3A_441 : i32
        %add3A_443 = arith.constant 6 : i32
        %add3A_444 = arith.addi %mul3A_442, %add3A_443 : i32
        %get3A_445 = arith.index_cast %add3A_444 : i32 to index
        %get3A_446 = arith.constant 0 : index
        %get3A_447 = tpu.vector_load %arg10[%get3A_445, %get3A_446] {strides = array<i32>} : memref<200x64xf32, #tpu.memory_space<vmem>>, vector<1x16xf32>,
        %get3A_448 = vector.shape_cast %get3A_447 : vector<1x16xf32> to vector<16xf32>
        %add3A_449 = arith.addf %add3A_425, %get3A_448 : vector<16xf32>
        %get3A_450 = arith.index_cast %add3A_444 : i32 to index
        %get3A_451 = arith.constant 16 : index
        %get3A_452 = tpu.vector_load %arg10[%get3A_450, %get3A_451] {strides = array<i32>} : memref<200x64xf32, #tpu.memory_space<vmem>>, vector<1x16xf32>,
        %get3A_453 = vector.shape_cast %get3A_452 : vector<1x16xf32> to vector<16xf32>
        %add3A_454 = arith.addf %add3A_430, %get3A_453 : vector<16xf32>
        %get3A_455 = arith.index_cast %add3A_444 : i32 to index
        %get3A_456 = arith.constant 32 : index
        %get3A_457 = tpu.vector_load %arg10[%get3A_455, %get3A_456] {strides = array<i32>} : memref<200x64xf32, #tpu.memory_space<vmem>>, vector<1x16xf32>,
        %get3A_458 = vector.shape_cast %get3A_457 : vector<1x16xf32> to vector<16xf32>
        %add3A_459 = arith.addf %add3A_435, %get3A_458 : vector<16xf32>
        %get3A_460 = arith.index_cast %add3A_444 : i32 to index
        %get3A_461 = arith.constant 48 : index
        %get3A_462 = tpu.vector_load %arg10[%get3A_460, %get3A_461] {strides = array<i32>} : memref<200x64xf32, #tpu.memory_space<vmem>>, vector<1x16xf32>,
        %get3A_463 = vector.shape_cast %get3A_462 : vector<1x16xf32> to vector<16xf32>
        %add3A_464 = arith.addf %add3A_440, %get3A_463 : vector<16xf32>
        %mul3A_465 = arith.constant 8 : i32
        %mul3A_466 = arith.muli %scan3A_293, %mul3A_465 : i32
        %add3A_467 = arith.constant 7 : i32
        %add3A_468 = arith.addi %mul3A_466, %add3A_467 : i32
        %get3A_469 = arith.index_cast %add3A_468 : i32 to index
        %get3A_470 = arith.constant 0 : index
        %get3A_471 = tpu.vector_load %arg10[%get3A_469, %get3A_470] {strides = array<i32>} : memref<200x64xf32, #tpu.memory_space<vmem>>, vector<1x16xf32>,
        %get3A_472 = vector.shape_cast %get3A_471 : vector<1x16xf32> to vector<16xf32>
        %add3A_473 = arith.addf %add3A_449, %get3A_472 : vector<16xf32>
        %get3A_474 = arith.index_cast %add3A_468 : i32 to index
        %get3A_475 = arith.constant 16 : index
        %get3A_476 = tpu.vector_load %arg10[%get3A_474, %get3A_475] {strides = array<i32>} : memref<200x64xf32, #tpu.memory_space<vmem>>, vector<1x16xf32>,
        %get3A_477 = vector.shape_cast %get3A_476 : vector<1x16xf32> to vector<16xf32>
        %add3A_478 = arith.addf %add3A_454, %get3A_477 : vector<16xf32>
        %get3A_479 = arith.index_cast %add3A_468 : i32 to index
        %get3A_480 = arith.constant 32 : index
        %get3A_481 = tpu.vector_load %arg10[%get3A_479, %get3A_480] {strides = array<i32>} : memref<200x64xf32, #tpu.memory_space<vmem>>, vector<1x16xf32>,
        %get3A_482 = vector.shape_cast %get3A_481 : vector<1x16xf32> to vector<16xf32>
        %add3A_483 = arith.addf %add3A_459, %get3A_482 : vector<16xf32>
        %get3A_484 = arith.index_cast %add3A_468 : i32 to index
        %get3A_485 = arith.constant 48 : index
        %get3A_486 = tpu.vector_load %arg10[%get3A_484, %get3A_485] {strides = array<i32>} : memref<200x64xf32, #tpu.memory_space<vmem>>, vector<1x16xf32>,
        %get3A_487 = vector.shape_cast %get3A_486 : vector<1x16xf32> to vector<16xf32>
        %add3A_488 = arith.addf %add3A_464, %get3A_487 : vector<16xf32>
        scf.yield %add3A_473, %add3A_478, %add3A_483, %add3A_488 : vector<16xf32>, vector<16xf32>, vector<16xf32>, vector<16xf32>
      }
      %scan3A_216 = arith.constant 25 : i32
      %swap3A_217 = arith.index_cast %add3A_185 : i32 to index
      %swap3A_218 = arith.constant 0 : index
      %swap3A_219 = tpu.vector_load %arg12[%swap3A_217, %swap3A_218] {strides = array<i32>} : memref<128x64xf32, #tpu.memory_space<vmem>>, vector<1x16xf32>,
      %swap3A_220 = vector.shape_cast %swap3A_219 : vector<1x16xf32> to vector<16xf32>
      %swap3A_221 = vector.shape_cast %scan3A_215#0 : vector<16xf32> to vector<1x16xf32>
      tpu.vector_store %arg12[%swap3A_217, %swap3A_218], %swap3A_221 {strides = array<i32>} : memref<128x64xf32, #tpu.memory_space<vmem>>, vector<1x16xf32>,
      %swap3A_222 = arith.index_cast %add3A_185 : i32 to index
      %swap3A_223 = arith.constant 16 : index
      %swap3A_224 = tpu.vector_load %arg12[%swap3A_222, %swap3A_223] {strides = array<i32>} : memref<128x64xf32, #tpu.memory_space<vmem>>, vector<1x16xf32>,
      %swap3A_225 = vector.shape_cast %swap3A_224 : vector<1x16xf32> to vector<16xf32>
      %swap3A_226 = vector.shape_cast %scan3A_215#1 : vector<16xf32> to vector<1x16xf32>
      tpu.vector_store %arg12[%swap3A_222, %swap3A_223], %swap3A_226 {strides = array<i32>} : memref<128x64xf32, #tpu.memory_space<vmem>>, vector<1x16xf32>,
      %swap3A_227 = arith.index_cast %add3A_185 : i32 to index
      %swap3A_228 = arith.constant 32 : index
      %swap3A_229 = tpu.vector_load %arg12[%swap3A_227, %swap3A_228] {strides = array<i32>} : memref<128x64xf32, #tpu.memory_space<vmem>>, vector<1x16xf32>,
      %swap3A_230 = vector.shape_cast %swap3A_229 : vector<1x16xf32> to vector<16xf32>
      %swap3A_231 = vector.shape_cast %scan3A_215#2 : vector<16xf32> to vector<1x16xf32>
      tpu.vector_store %arg12[%swap3A_227, %swap3A_228], %swap3A_231 {strides = array<i32>} : memref<128x64xf32, #tpu.memory_space<vmem>>, vector<1x16xf32>,
      %swap3A_232 = arith.index_cast %add3A_185 : i32 to index
      %swap3A_233 = arith.constant 48 : index
      %swap3A_234 = tpu.vector_load %arg12[%swap3A_232, %swap3A_233] {strides = array<i32>} : memref<128x64xf32, #tpu.memory_space<vmem>>, vector<1x16xf32>,
      %swap3A_235 = vector.shape_cast %swap3A_234 : vector<1x16xf32> to vector<16xf32>
      %swap3A_236 = vector.shape_cast %scan3A_215#3 : vector<16xf32> to vector<1x16xf32>
      tpu.vector_store %arg12[%swap3A_232, %swap3A_233], %swap3A_236 {strides = array<i32>} : memref<128x64xf32, #tpu.memory_space<vmem>>, vector<1x16xf32>,
      %mul3A_237 = arith.constant 4 : i32
      %mul3A_238 = arith.muli %mul3A_237, %scan3A_76 : i32
      %add3A_239 = arith.constant 3 : i32
      %add3A_240 = arith.addi %mul3A_238, %add3A_239 : i32
      %dma_wait3A_241 = arith.constant 0 : i32
      %dma_wait3A_242 = arith.constant 0 : i32
      %dma_wait3A_243 = tpu.memref_slice %arg11[%dma_wait3A_241, %dma_wait3A_242] : memref<200x64xf32, #tpu.memory_space<vmem>> -> memref<128x64xf32, #tpu.memory_space<vmem>>
      %dma_wait3A_244 = arith.constant 0 : i32
      %dma_wait3A_245 = tpu.memref_slice %arg6[%dma_wait3A_244] : memref<16384xi32, #tpu.memory_space<vmem>> -> memref<128xi32, #tpu.memory_space<vmem>>
      %dma_wait3A_246 = arith.constant 0 : i32
      %dma_wait3A_247 = arith.constant 0 : i32
      %dma_wait3A_248 = tpu.memref_slice %arg4[%dma_wait3A_246, %dma_wait3A_247] : memref<1000000x64xf32, #tpu.memory_space<hbm>> -> memref<1000000x64xf32, #tpu.memory_space<hbm>>
      tpu.wait_indirect_dma semaphore(%arg16 : memref<!tpu.dma_semaphore, #tpu.memory_space<semaphore_mem>>) src(%dma_wait3A_248 : memref<1000000x64xf32, #tpu.memory_space<hbm>>) dst(%dma_wait3A_243 : memref<128x64xf32, #tpu.memory_space<vmem>>)
      %dma_wait3A_249 = arith.constant 128 : i32
      %dma_wait3A_250 = arith.constant 0 : i32
      %dma_wait3A_251 = tpu.memref_slice %arg11[%dma_wait3A_249, %dma_wait3A_250] : memref<200x64xf32, #tpu.memory_space<vmem>> -> memref<72x64xf32, #tpu.memory_space<vmem>>
      %dma_wait3A_252 = arith.constant 0 : i32
      %dma_wait3A_253 = tpu.memref_slice %arg7[%dma_wait3A_252] : memref<16384xi32, #tpu.memory_space<vmem>> -> memref<72xi32, #tpu.memory_space<vmem>>
      %dma_wait3A_254 = arith.constant 0 : i32
      %dma_wait3A_255 = arith.constant 0 : i32
      %dma_wait3A_256 = tpu.memref_slice %arg4[%dma_wait3A_254, %dma_wait3A_255] : memref<1000000x64xf32, #tpu.memory_space<hbm>> -> memref<1000000x64xf32, #tpu.memory_space<hbm>>
      tpu.wait_indirect_dma semaphore(%arg16 : memref<!tpu.dma_semaphore, #tpu.memory_space<semaphore_mem>>) src(%dma_wait3A_256 : memref<1000000x64xf32, #tpu.memory_space<hbm>>) dst(%dma_wait3A_251 : memref<72x64xf32, #tpu.memory_space<vmem>>)
      %add3A_257 = arith.constant 4 : i32
      %add3A_258 = arith.addi %add3A_240, %add3A_257 : i32
      %lt3A_259 = arith.constant 128 : i32
      %lt3A_260 = arith.cmpi slt, %add3A_258, %lt3A_259 : i32
      %convert_element_type3A_261 = arith.extui %lt3A_260 : i1 to i32
      %cond3A_262 = arith.constant 0 : i32
      %cond3A_263 = arith.cmpi ne, %convert_element_type3A_261, %cond3A_262 : i32
      scf.if %cond3A_263 {
        %add3A_293 = arith.constant 4 : i32
        %add3A_294 = arith.addi %add3A_240, %add3A_293 : i32
        %mul3A_295 = arith.constant 128 : i32
        %mul3A_296 = arith.muli %add3A_294, %mul3A_295 : i32
        %dma_start3A_297 = arith.constant 0 : i32
        %dma_start3A_298 = arith.constant 0 : i32
        %dma_start3A_299 = tpu.memref_slice %arg11[%dma_start3A_297, %dma_start3A_298] : memref<200x64xf32, #tpu.memory_space<vmem>> -> memref<128x64xf32, #tpu.memory_space<vmem>>
        %dma_start3A_300 = tpu.memref_slice %arg6[%mul3A_296] : memref<16384xi32, #tpu.memory_space<vmem>> -> memref<128xi32, #tpu.memory_space<vmem>>
        %dma_start3A_301 = arith.constant 0 : i32
        %dma_start3A_302 = arith.constant 0 : i32
        %dma_start3A_303 = tpu.memref_slice %arg4[%dma_start3A_301, %dma_start3A_302] : memref<1000000x64xf32, #tpu.memory_space<hbm>> -> memref<1000000x64xf32, #tpu.memory_space<hbm>>
        tpu.enqueue_indirect_dma source(%dma_start3A_303 : memref<1000000x64xf32, #tpu.memory_space<hbm>>) target(%dma_start3A_299 : memref<128x64xf32, #tpu.memory_space<vmem>>) offsets(%dma_start3A_300 : memref<128xi32, #tpu.memory_space<vmem>>) semaphore(%arg16 : memref<!tpu.dma_semaphore, #tpu.memory_space<semaphore_mem>>)
        %mul3A_304 = arith.constant 128 : i32
        %mul3A_305 = arith.muli %add3A_294, %mul3A_304 : i32
        %dma_start3A_306 = arith.constant 128 : i32
        %dma_start3A_307 = arith.constant 0 : i32
        %dma_start3A_308 = tpu.memref_slice %arg11[%dma_start3A_306, %dma_start3A_307] : memref<200x64xf32, #tpu.memory_space<vmem>> -> memref<72x64xf32, #tpu.memory_space<vmem>>
        %dma_start3A_309 = tpu.memref_slice %arg7[%mul3A_305] : memref<16384xi32, #tpu.memory_space<vmem>> -> memref<72xi32, #tpu.memory_space<vmem>>
        %dma_start3A_310 = arith.constant 0 : i32
        %dma_start3A_311 = arith.constant 0 : i32
        %dma_start3A_312 = tpu.memref_slice %arg4[%dma_start3A_310, %dma_start3A_311] : memref<1000000x64xf32, #tpu.memory_space<hbm>> -> memref<1000000x64xf32, #tpu.memory_space<hbm>>
        tpu.enqueue_indirect_dma source(%dma_start3A_312 : memref<1000000x64xf32, #tpu.memory_space<hbm>>) target(%dma_start3A_308 : memref<72x64xf32, #tpu.memory_space<vmem>>) offsets(%dma_start3A_309 : memref<72xi32, #tpu.memory_space<vmem>>) semaphore(%arg16 : memref<!tpu.dma_semaphore, #tpu.memory_space<semaphore_mem>>)
      } else {
      }
      %broadcast_in_dim3A_264 = arith.constant 0.000000e+00 : f32
      %broadcast_in_dim3A_265 = vector.broadcast %broadcast_in_dim3A_264 : f32 to vector<16xf32>
      %scan3A_266 = arith.constant 0 : i32
      %scan3A_267 = arith.constant 25 : i32
      %scan3A_268 = arith.addi %scan3A_266, %scan3A_267 : i32
      %scan3A_269 = arith.constant 1 : i32
      %scan3A_270:4 = scf.for %scan3A_293 = %scan3A_266 to %scan3A_268 step %scan3A_269 iter_args(%scan3A_294 = %broadcast_in_dim3A_265, %scan3A_295 = %broadcast_in_dim3A_265, %scan3A_296 = %broadcast_in_dim3A_265, %scan3A_297 = %broadcast_in_dim3A_265) -> (vector<16xf32>, vector<16xf32>, vector<16xf32>, vector<16xf32>)  : i32 {
        %mul3A_298 = arith.constant 8 : i32
        %mul3A_299 = arith.muli %scan3A_293, %mul3A_298 : i32
        %add3A_300 = arith.constant 0 : i32
        %add3A_301 = arith.addi %mul3A_299, %add3A_300 : i32
        %get3A = arith.index_cast %add3A_301 : i32 to index
        %get3A_302 = arith.constant 0 : index
        %get3A_303 = tpu.vector_load %arg11[%get3A, %get3A_302] {strides = array<i32>} : memref<200x64xf32, #tpu.memory_space<vmem>>, vector<1x16xf32>,
        %get3A_304 = vector.shape_cast %get3A_303 : vector<1x16xf32> to vector<16xf32>
        %add3A_305 = arith.addf %scan3A_294, %get3A_304 : vector<16xf32>
        %get3A_306 = arith.index_cast %add3A_301 : i32 to index
        %get3A_307 = arith.constant 16 : index
        %get3A_308 = tpu.vector_load %arg11[%get3A_306, %get3A_307] {strides = array<i32>} : memref<200x64xf32, #tpu.memory_space<vmem>>, vector<1x16xf32>,
        %get3A_309 = vector.shape_cast %get3A_308 : vector<1x16xf32> to vector<16xf32>
        %add3A_310 = arith.addf %scan3A_295, %get3A_309 : vector<16xf32>
        %get3A_311 = arith.index_cast %add3A_301 : i32 to index
        %get3A_312 = arith.constant 32 : index
        %get3A_313 = tpu.vector_load %arg11[%get3A_311, %get3A_312] {strides = array<i32>} : memref<200x64xf32, #tpu.memory_space<vmem>>, vector<1x16xf32>,
        %get3A_314 = vector.shape_cast %get3A_313 : vector<1x16xf32> to vector<16xf32>
        %add3A_315 = arith.addf %scan3A_296, %get3A_314 : vector<16xf32>
        %get3A_316 = arith.index_cast %add3A_301 : i32 to index
        %get3A_317 = arith.constant 48 : index
        %get3A_318 = tpu.vector_load %arg11[%get3A_316, %get3A_317] {strides = array<i32>} : memref<200x64xf32, #tpu.memory_space<vmem>>, vector<1x16xf32>,
        %get3A_319 = vector.shape_cast %get3A_318 : vector<1x16xf32> to vector<16xf32>
        %add3A_320 = arith.addf %scan3A_297, %get3A_319 : vector<16xf32>
        %mul3A_321 = arith.constant 8 : i32
        %mul3A_322 = arith.muli %scan3A_293, %mul3A_321 : i32
        %add3A_323 = arith.constant 1 : i32
        %add3A_324 = arith.addi %mul3A_322, %add3A_323 : i32
        %get3A_325 = arith.index_cast %add3A_324 : i32 to index
        %get3A_326 = arith.constant 0 : index
        %get3A_327 = tpu.vector_load %arg11[%get3A_325, %get3A_326] {strides = array<i32>} : memref<200x64xf32, #tpu.memory_space<vmem>>, vector<1x16xf32>,
        %get3A_328 = vector.shape_cast %get3A_327 : vector<1x16xf32> to vector<16xf32>
        %add3A_329 = arith.addf %add3A_305, %get3A_328 : vector<16xf32>
        %get3A_330 = arith.index_cast %add3A_324 : i32 to index
        %get3A_331 = arith.constant 16 : index
        %get3A_332 = tpu.vector_load %arg11[%get3A_330, %get3A_331] {strides = array<i32>} : memref<200x64xf32, #tpu.memory_space<vmem>>, vector<1x16xf32>,
        %get3A_333 = vector.shape_cast %get3A_332 : vector<1x16xf32> to vector<16xf32>
        %add3A_334 = arith.addf %add3A_310, %get3A_333 : vector<16xf32>
        %get3A_335 = arith.index_cast %add3A_324 : i32 to index
        %get3A_336 = arith.constant 32 : index
        %get3A_337 = tpu.vector_load %arg11[%get3A_335, %get3A_336] {strides = array<i32>} : memref<200x64xf32, #tpu.memory_space<vmem>>, vector<1x16xf32>,
        %get3A_338 = vector.shape_cast %get3A_337 : vector<1x16xf32> to vector<16xf32>
        %add3A_339 = arith.addf %add3A_315, %get3A_338 : vector<16xf32>
        %get3A_340 = arith.index_cast %add3A_324 : i32 to index
        %get3A_341 = arith.constant 48 : index
        %get3A_342 = tpu.vector_load %arg11[%get3A_340, %get3A_341] {strides = array<i32>} : memref<200x64xf32, #tpu.memory_space<vmem>>, vector<1x16xf32>,
        %get3A_343 = vector.shape_cast %get3A_342 : vector<1x16xf32> to vector<16xf32>
        %add3A_344 = arith.addf %add3A_320, %get3A_343 : vector<16xf32>
        %mul3A_345 = arith.constant 8 : i32
        %mul3A_346 = arith.muli %scan3A_293, %mul3A_345 : i32
        %add3A_347 = arith.constant 2 : i32
        %add3A_348 = arith.addi %mul3A_346, %add3A_347 : i32
        %get3A_349 = arith.index_cast %add3A_348 : i32 to index
        %get3A_350 = arith.constant 0 : index
        %get3A_351 = tpu.vector_load %arg11[%get3A_349, %get3A_350] {strides = array<i32>} : memref<200x64xf32, #tpu.memory_space<vmem>>, vector<1x16xf32>,
        %get3A_352 = vector.shape_cast %get3A_351 : vector<1x16xf32> to vector<16xf32>
        %add3A_353 = arith.addf %add3A_329, %get3A_352 : vector<16xf32>
        %get3A_354 = arith.index_cast %add3A_348 : i32 to index
        %get3A_355 = arith.constant 16 : index
        %get3A_356 = tpu.vector_load %arg11[%get3A_354, %get3A_355] {strides = array<i32>} : memref<200x64xf32, #tpu.memory_space<vmem>>, vector<1x16xf32>,
        %get3A_357 = vector.shape_cast %get3A_356 : vector<1x16xf32> to vector<16xf32>
        %add3A_358 = arith.addf %add3A_334, %get3A_357 : vector<16xf32>
        %get3A_359 = arith.index_cast %add3A_348 : i32 to index
        %get3A_360 = arith.constant 32 : index
        %get3A_361 = tpu.vector_load %arg11[%get3A_359, %get3A_360] {strides = array<i32>} : memref<200x64xf32, #tpu.memory_space<vmem>>, vector<1x16xf32>,
        %get3A_362 = vector.shape_cast %get3A_361 : vector<1x16xf32> to vector<16xf32>
        %add3A_363 = arith.addf %add3A_339, %get3A_362 : vector<16xf32>
        %get3A_364 = arith.index_cast %add3A_348 : i32 to index
        %get3A_365 = arith.constant 48 : index
        %get3A_366 = tpu.vector_load %arg11[%get3A_364, %get3A_365] {strides = array<i32>} : memref<200x64xf32, #tpu.memory_space<vmem>>, vector<1x16xf32>,
        %get3A_367 = vector.shape_cast %get3A_366 : vector<1x16xf32> to vector<16xf32>
        %add3A_368 = arith.addf %add3A_344, %get3A_367 : vector<16xf32>
        %mul3A_369 = arith.constant 8 : i32
        %mul3A_370 = arith.muli %scan3A_293, %mul3A_369 : i32
        %add3A_371 = arith.constant 3 : i32
        %add3A_372 = arith.addi %mul3A_370, %add3A_371 : i32
        %get3A_373 = arith.index_cast %add3A_372 : i32 to index
        %get3A_374 = arith.constant 0 : index
        %get3A_375 = tpu.vector_load %arg11[%get3A_373, %get3A_374] {strides = array<i32>} : memref<200x64xf32, #tpu.memory_space<vmem>>, vector<1x16xf32>,
        %get3A_376 = vector.shape_cast %get3A_375 : vector<1x16xf32> to vector<16xf32>
        %add3A_377 = arith.addf %add3A_353, %get3A_376 : vector<16xf32>
        %get3A_378 = arith.index_cast %add3A_372 : i32 to index
        %get3A_379 = arith.constant 16 : index
        %get3A_380 = tpu.vector_load %arg11[%get3A_378, %get3A_379] {strides = array<i32>} : memref<200x64xf32, #tpu.memory_space<vmem>>, vector<1x16xf32>,
        %get3A_381 = vector.shape_cast %get3A_380 : vector<1x16xf32> to vector<16xf32>
        %add3A_382 = arith.addf %add3A_358, %get3A_381 : vector<16xf32>
        %get3A_383 = arith.index_cast %add3A_372 : i32 to index
        %get3A_384 = arith.constant 32 : index
        %get3A_385 = tpu.vector_load %arg11[%get3A_383, %get3A_384] {strides = array<i32>} : memref<200x64xf32, #tpu.memory_space<vmem>>, vector<1x16xf32>,
        %get3A_386 = vector.shape_cast %get3A_385 : vector<1x16xf32> to vector<16xf32>
        %add3A_387 = arith.addf %add3A_363, %get3A_386 : vector<16xf32>
        %get3A_388 = arith.index_cast %add3A_372 : i32 to index
        %get3A_389 = arith.constant 48 : index
        %get3A_390 = tpu.vector_load %arg11[%get3A_388, %get3A_389] {strides = array<i32>} : memref<200x64xf32, #tpu.memory_space<vmem>>, vector<1x16xf32>,
        %get3A_391 = vector.shape_cast %get3A_390 : vector<1x16xf32> to vector<16xf32>
        %add3A_392 = arith.addf %add3A_368, %get3A_391 : vector<16xf32>
        %mul3A_393 = arith.constant 8 : i32
        %mul3A_394 = arith.muli %scan3A_293, %mul3A_393 : i32
        %add3A_395 = arith.constant 4 : i32
        %add3A_396 = arith.addi %mul3A_394, %add3A_395 : i32
        %get3A_397 = arith.index_cast %add3A_396 : i32 to index
        %get3A_398 = arith.constant 0 : index
        %get3A_399 = tpu.vector_load %arg11[%get3A_397, %get3A_398] {strides = array<i32>} : memref<200x64xf32, #tpu.memory_space<vmem>>, vector<1x16xf32>,
        %get3A_400 = vector.shape_cast %get3A_399 : vector<1x16xf32> to vector<16xf32>
        %add3A_401 = arith.addf %add3A_377, %get3A_400 : vector<16xf32>
        %get3A_402 = arith.index_cast %add3A_396 : i32 to index
        %get3A_403 = arith.constant 16 : index
        %get3A_404 = tpu.vector_load %arg11[%get3A_402, %get3A_403] {strides = array<i32>} : memref<200x64xf32, #tpu.memory_space<vmem>>, vector<1x16xf32>,
        %get3A_405 = vector.shape_cast %get3A_404 : vector<1x16xf32> to vector<16xf32>
        %add3A_406 = arith.addf %add3A_382, %get3A_405 : vector<16xf32>
        %get3A_407 = arith.index_cast %add3A_396 : i32 to index
        %get3A_408 = arith.constant 32 : index
        %get3A_409 = tpu.vector_load %arg11[%get3A_407, %get3A_408] {strides = array<i32>} : memref<200x64xf32, #tpu.memory_space<vmem>>, vector<1x16xf32>,
        %get3A_410 = vector.shape_cast %get3A_409 : vector<1x16xf32> to vector<16xf32>
        %add3A_411 = arith.addf %add3A_387, %get3A_410 : vector<16xf32>
        %get3A_412 = arith.index_cast %add3A_396 : i32 to index
        %get3A_413 = arith.constant 48 : index
        %get3A_414 = tpu.vector_load %arg11[%get3A_412, %get3A_413] {strides = array<i32>} : memref<200x64xf32, #tpu.memory_space<vmem>>, vector<1x16xf32>,
        %get3A_415 = vector.shape_cast %get3A_414 : vector<1x16xf32> to vector<16xf32>
        %add3A_416 = arith.addf %add3A_392, %get3A_415 : vector<16xf32>
        %mul3A_417 = arith.constant 8 : i32
        %mul3A_418 = arith.muli %scan3A_293, %mul3A_417 : i32
        %add3A_419 = arith.constant 5 : i32
        %add3A_420 = arith.addi %mul3A_418, %add3A_419 : i32
        %get3A_421 = arith.index_cast %add3A_420 : i32 to index
        %get3A_422 = arith.constant 0 : index
        %get3A_423 = tpu.vector_load %arg11[%get3A_421, %get3A_422] {strides = array<i32>} : memref<200x64xf32, #tpu.memory_space<vmem>>, vector<1x16xf32>,
        %get3A_424 = vector.shape_cast %get3A_423 : vector<1x16xf32> to vector<16xf32>
        %add3A_425 = arith.addf %add3A_401, %get3A_424 : vector<16xf32>
        %get3A_426 = arith.index_cast %add3A_420 : i32 to index
        %get3A_427 = arith.constant 16 : index
        %get3A_428 = tpu.vector_load %arg11[%get3A_426, %get3A_427] {strides = array<i32>} : memref<200x64xf32, #tpu.memory_space<vmem>>, vector<1x16xf32>,
        %get3A_429 = vector.shape_cast %get3A_428 : vector<1x16xf32> to vector<16xf32>
        %add3A_430 = arith.addf %add3A_406, %get3A_429 : vector<16xf32>
        %get3A_431 = arith.index_cast %add3A_420 : i32 to index
        %get3A_432 = arith.constant 32 : index
        %get3A_433 = tpu.vector_load %arg11[%get3A_431, %get3A_432] {strides = array<i32>} : memref<200x64xf32, #tpu.memory_space<vmem>>, vector<1x16xf32>,
        %get3A_434 = vector.shape_cast %get3A_433 : vector<1x16xf32> to vector<16xf32>
        %add3A_435 = arith.addf %add3A_411, %get3A_434 : vector<16xf32>
        %get3A_436 = arith.index_cast %add3A_420 : i32 to index
        %get3A_437 = arith.constant 48 : index
        %get3A_438 = tpu.vector_load %arg11[%get3A_436, %get3A_437] {strides = array<i32>} : memref<200x64xf32, #tpu.memory_space<vmem>>, vector<1x16xf32>,
        %get3A_439 = vector.shape_cast %get3A_438 : vector<1x16xf32> to vector<16xf32>
        %add3A_440 = arith.addf %add3A_416, %get3A_439 : vector<16xf32>
        %mul3A_441 = arith.constant 8 : i32
        %mul3A_442 = arith.muli %scan3A_293, %mul3A_441 : i32
        %add3A_443 = arith.constant 6 : i32
        %add3A_444 = arith.addi %mul3A_442, %add3A_443 : i32
        %get3A_445 = arith.index_cast %add3A_444 : i32 to index
        %get3A_446 = arith.constant 0 : index
        %get3A_447 = tpu.vector_load %arg11[%get3A_445, %get3A_446] {strides = array<i32>} : memref<200x64xf32, #tpu.memory_space<vmem>>, vector<1x16xf32>,
        %get3A_448 = vector.shape_cast %get3A_447 : vector<1x16xf32> to vector<16xf32>
        %add3A_449 = arith.addf %add3A_425, %get3A_448 : vector<16xf32>
        %get3A_450 = arith.index_cast %add3A_444 : i32 to index
        %get3A_451 = arith.constant 16 : index
        %get3A_452 = tpu.vector_load %arg11[%get3A_450, %get3A_451] {strides = array<i32>} : memref<200x64xf32, #tpu.memory_space<vmem>>, vector<1x16xf32>,
        %get3A_453 = vector.shape_cast %get3A_452 : vector<1x16xf32> to vector<16xf32>
        %add3A_454 = arith.addf %add3A_430, %get3A_453 : vector<16xf32>
        %get3A_455 = arith.index_cast %add3A_444 : i32 to index
        %get3A_456 = arith.constant 32 : index
        %get3A_457 = tpu.vector_load %arg11[%get3A_455, %get3A_456] {strides = array<i32>} : memref<200x64xf32, #tpu.memory_space<vmem>>, vector<1x16xf32>,
        %get3A_458 = vector.shape_cast %get3A_457 : vector<1x16xf32> to vector<16xf32>
        %add3A_459 = arith.addf %add3A_435, %get3A_458 : vector<16xf32>
        %get3A_460 = arith.index_cast %add3A_444 : i32 to index
        %get3A_461 = arith.constant 48 : index
        %get3A_462 = tpu.vector_load %arg11[%get3A_460, %get3A_461] {strides = array<i32>} : memref<200x64xf32, #tpu.memory_space<vmem>>, vector<1x16xf32>,
        %get3A_463 = vector.shape_cast %get3A_462 : vector<1x16xf32> to vector<16xf32>
        %add3A_464 = arith.addf %add3A_440, %get3A_463 : vector<16xf32>
        %mul3A_465 = arith.constant 8 : i32
        %mul3A_466 = arith.muli %scan3A_293, %mul3A_465 : i32
        %add3A_467 = arith.constant 7 : i32
        %add3A_468 = arith.addi %mul3A_466, %add3A_467 : i32
        %get3A_469 = arith.index_cast %add3A_468 : i32 to index
        %get3A_470 = arith.constant 0 : index
        %get3A_471 = tpu.vector_load %arg11[%get3A_469, %get3A_470] {strides = array<i32>} : memref<200x64xf32, #tpu.memory_space<vmem>>, vector<1x16xf32>,
        %get3A_472 = vector.shape_cast %get3A_471 : vector<1x16xf32> to vector<16xf32>
        %add3A_473 = arith.addf %add3A_449, %get3A_472 : vector<16xf32>
        %get3A_474 = arith.index_cast %add3A_468 : i32 to index
        %get3A_475 = arith.constant 16 : index
        %get3A_476 = tpu.vector_load %arg11[%get3A_474, %get3A_475] {strides = array<i32>} : memref<200x64xf32, #tpu.memory_space<vmem>>, vector<1x16xf32>,
        %get3A_477 = vector.shape_cast %get3A_476 : vector<1x16xf32> to vector<16xf32>
        %add3A_478 = arith.addf %add3A_454, %get3A_477 : vector<16xf32>
        %get3A_479 = arith.index_cast %add3A_468 : i32 to index
        %get3A_480 = arith.constant 32 : index
        %get3A_481 = tpu.vector_load %arg11[%get3A_479, %get3A_480] {strides = array<i32>} : memref<200x64xf32, #tpu.memory_space<vmem>>, vector<1x16xf32>,
        %get3A_482 = vector.shape_cast %get3A_481 : vector<1x16xf32> to vector<16xf32>
        %add3A_483 = arith.addf %add3A_459, %get3A_482 : vector<16xf32>
        %get3A_484 = arith.index_cast %add3A_468 : i32 to index
        %get3A_485 = arith.constant 48 : index
        %get3A_486 = tpu.vector_load %arg11[%get3A_484, %get3A_485] {strides = array<i32>} : memref<200x64xf32, #tpu.memory_space<vmem>>, vector<1x16xf32>,
        %get3A_487 = vector.shape_cast %get3A_486 : vector<1x16xf32> to vector<16xf32>
        %add3A_488 = arith.addf %add3A_464, %get3A_487 : vector<16xf32>
        scf.yield %add3A_473, %add3A_478, %add3A_483, %add3A_488 : vector<16xf32>, vector<16xf32>, vector<16xf32>, vector<16xf32>
      }
      %scan3A_271 = arith.constant 25 : i32
      %swap3A_272 = arith.index_cast %add3A_240 : i32 to index
      %swap3A_273 = arith.constant 0 : index
      %swap3A_274 = tpu.vector_load %arg12[%swap3A_272, %swap3A_273] {strides = array<i32>} : memref<128x64xf32, #tpu.memory_space<vmem>>, vector<1x16xf32>,
      %swap3A_275 = vector.shape_cast %swap3A_274 : vector<1x16xf32> to vector<16xf32>
      %swap3A_276 = vector.shape_cast %scan3A_270#0 : vector<16xf32> to vector<1x16xf32>
      tpu.vector_store %arg12[%swap3A_272, %swap3A_273], %swap3A_276 {strides = array<i32>} : memref<128x64xf32, #tpu.memory_space<vmem>>, vector<1x16xf32>,
      %swap3A_277 = arith.index_cast %add3A_240 : i32 to index
      %swap3A_278 = arith.constant 16 : index
      %swap3A_279 = tpu.vector_load %arg12[%swap3A_277, %swap3A_278] {strides = array<i32>} : memref<128x64xf32, #tpu.memory_space<vmem>>, vector<1x16xf32>,
      %swap3A_280 = vector.shape_cast %swap3A_279 : vector<1x16xf32> to vector<16xf32>
      %swap3A_281 = vector.shape_cast %scan3A_270#1 : vector<16xf32> to vector<1x16xf32>
      tpu.vector_store %arg12[%swap3A_277, %swap3A_278], %swap3A_281 {strides = array<i32>} : memref<128x64xf32, #tpu.memory_space<vmem>>, vector<1x16xf32>,
      %swap3A_282 = arith.index_cast %add3A_240 : i32 to index
      %swap3A_283 = arith.constant 32 : index
      %swap3A_284 = tpu.vector_load %arg12[%swap3A_282, %swap3A_283] {strides = array<i32>} : memref<128x64xf32, #tpu.memory_space<vmem>>, vector<1x16xf32>,
      %swap3A_285 = vector.shape_cast %swap3A_284 : vector<1x16xf32> to vector<16xf32>
      %swap3A_286 = vector.shape_cast %scan3A_270#2 : vector<16xf32> to vector<1x16xf32>
      tpu.vector_store %arg12[%swap3A_282, %swap3A_283], %swap3A_286 {strides = array<i32>} : memref<128x64xf32, #tpu.memory_space<vmem>>, vector<1x16xf32>,
      %swap3A_287 = arith.index_cast %add3A_240 : i32 to index
      %swap3A_288 = arith.constant 48 : index
      %swap3A_289 = tpu.vector_load %arg12[%swap3A_287, %swap3A_288] {strides = array<i32>} : memref<128x64xf32, #tpu.memory_space<vmem>>, vector<1x16xf32>,
      %swap3A_290 = vector.shape_cast %swap3A_289 : vector<1x16xf32> to vector<16xf32>
      %swap3A_291 = vector.shape_cast %scan3A_270#3 : vector<16xf32> to vector<1x16xf32>
      tpu.vector_store %arg12[%swap3A_287, %swap3A_288], %swap3A_291 {strides = array<i32>} : memref<128x64xf32, #tpu.memory_space<vmem>>, vector<1x16xf32>,
      %scan3A_292 = arith.constant 0 : i32
      scf.yield %scan3A_292 : i32
    }
    %scan3A_75 = arith.constant 32 : i32
    "tpu.region"() ({
      %run_scoped3A = tpu.sem_alloc : memref<!tpu.dma_semaphore, #tpu.memory_space<semaphore_mem>>
      %dma_start3A_76 = arith.constant 0 : i32
      %dma_start3A_77 = tpu.memref_slice %arg5[%mul3A_2, %dma_start3A_76] : memref<4096x64xf32, #tpu.memory_space<hbm>> -> memref<128x64xf32, #tpu.memory_space<hbm>>
      %dma_start3A_78 = arith.constant 0 : i32
      %dma_start3A_79 = tpu.memref_slice %arg5[%mul3A_2, %dma_start3A_78] : memref<4096x64xf32, #tpu.memory_space<hbm>> -> memref<128x64xf32, #tpu.memory_space<hbm>>
      tpu.enqueue_dma source(%arg12 : memref<128x64xf32, #tpu.memory_space<vmem>>) target(%dma_start3A_79 : memref<128x64xf32, #tpu.memory_space<hbm>>) target_semaphore(%run_scoped3A : memref<!tpu.dma_semaphore, #tpu.memory_space<semaphore_mem>>)
      %dma_wait3A = arith.constant 0 : i32
      %dma_wait3A_80 = tpu.memref_slice %arg5[%mul3A_2, %dma_wait3A] : memref<4096x64xf32, #tpu.memory_space<hbm>> -> memref<128x64xf32, #tpu.memory_space<hbm>>
      %dma_wait3A_81 = arith.constant 0 : i32
      %dma_wait3A_82 = tpu.memref_slice %arg5[%mul3A_2, %dma_wait3A_81] : memref<4096x64xf32, #tpu.memory_space<hbm>> -> memref<128x64xf32, #tpu.memory_space<hbm>>
      tpu.wait_dma2 semaphore(%run_scoped3A : memref<!tpu.dma_semaphore, #tpu.memory_space<semaphore_mem>>) src(%arg12 : memref<128x64xf32, #tpu.memory_space<vmem>>) dst(%dma_wait3A_82 : memref<128x64xf32, #tpu.memory_space<hbm>>)
      tpu.yield
    }) : () -> ()
    return
  }
}

module attributes {stable_mosaic.version = 14 : i64} {
  func.func @_fc_body(%arg0: memref<4096x64xf32, #tpu.memory_space<vmem>>, %arg1: memref<2x64xf32, #tpu.memory_space<vmem>>, %arg2: memref<1x2xf32, #tpu.memory_space<vmem>>, %arg3: memref<4096x2xf32, #tpu.memory_space<vmem>>) attributes {dimension_semantics = [], scalar_prefetch = 0 : i64, scratch_operands = 0 : i64, tpu.core_type = #tpu.core_type<tc>} {
    %get3A = arith.constant 0 : index
    %get3A_0 = arith.constant 0 : index
    %get3A_1 = vector.load %arg0[%get3A, %get3A_0] : memref<4096x64xf32, #tpu.memory_space<vmem>>, vector<4096x64xf32>
    %mul3A = arith.constant 5.000000e-03 : f32
    %mul3A_2 = vector.broadcast %mul3A : f32 to vector<4096x64xf32>
    %mul3A_3 = arith.mulf %get3A_1, %mul3A_2 : vector<4096x64xf32>
    %get3A_4 = arith.constant 0 : index
    %get3A_5 = arith.constant 0 : index
    %get3A_6 = vector.load %arg1[%get3A_4, %get3A_5] : memref<2x64xf32, #tpu.memory_space<vmem>>, vector<2x64xf32>
    %transpose3A = tpu.transpose %get3A_6, [1, 0] : vector<2x64xf32> -> vector<64x2xf32>
    %dot_general3A = arith.constant dense<0.000000e+00> : vector<4096x2xf32>
    %dot_general3A_7 = tpu.matmul %mul3A_3, %transpose3A, %dot_general3A {dimension_numbers = #tpu.dot_dimension_numbers<[1], [0], [0], [1], [0, 0, 1, 1], [], []>, transpose_lhs_hint = false} : vector<4096x64xf32>, vector<64x2xf32>, vector<4096x2xf32> -> vector<4096x2xf32>
    %get3A_8 = arith.constant 0 : index
    %get3A_9 = arith.constant 0 : index
    %get3A_10 = vector.load %arg2[%get3A_8, %get3A_9] : memref<1x2xf32, #tpu.memory_space<vmem>>, vector<1x2xf32>
    %add3A = vector.broadcast %get3A_10 : vector<1x2xf32> to vector<4096x2xf32>
    %add3A_11 = arith.addf %dot_general3A_7, %add3A : vector<4096x2xf32>
    %swap3A = arith.constant 0 : index
    %swap3A_12 = arith.constant 0 : index
    %swap3A_13 = vector.load %arg3[%swap3A, %swap3A_12] : memref<4096x2xf32, #tpu.memory_space<vmem>>, vector<4096x2xf32>
    tpu.vector_store %arg3[%swap3A, %swap3A_12], %add3A_11 {strides = array<i32>} : memref<4096x2xf32, #tpu.memory_space<vmem>>, vector<4096x2xf32>,
    return
  }
}

</mosaic_0001>

<sc_bundles>
// kernel: kernel.4.cloned.1.call-start
scs
__scs_entry_jumppad:
0x0: {  	(pc) =	sbr.rel $0x88, $3  }
0x1: {  	(tag) =	ssettag $0x0;
	lr =	simm.s32 $0x1  }
0x2: {  	[smem:$0x3F9D] =	sst lr;
	_ =	strace $0xD0000000  }
0x3: {  	_ = 	snop  }
0x4: {  	_ = 	snop  }
0x5: {  	_ = 	snop  }
0x6: {  	_ = 	snop  }
0x7: {  	_ = 	snop  }
__scs_overlays_trampoline_lowered:
0x8: {  	[smem:$0x3FAC] =	sst s0  }
0x9: {  	[smem:$0x3FAD] =	sst s1  }
0xa: {  	[smem:$0x3FAE] =	sst s2  }
0xb: {  	[smem:$0x3FAF] =	sst s3  }
0xc: {  	[smem:$0x3FB0] =	sst s4  }
0xd: {  	[smem:$0x3FB1] =	sst s5  }
0xe: {  	[smem:$0x3FB2] =	sst s6  }
0xf: {  	[smem:$0x3FB3] =	sst s7  }
0x10: {  	[smem:$0x3FB4] =	sst s8  }
0x11: {  	[smem:$0x3FB5] =	sst s9;
	s0 =	simm.s32 @!p0 $0x0  }
0x12: {  	s1 =	sld [smem:$0x3F9B];
	s0 =	simm.s32 @p0 $0x1  }
0x13: {  	[smem:$0x3FB6] =	sst s0;
	s0 =	simm.s32 @!p1 $0x0  }
0x14: {  	s2 =	sld [smem:$0x3F9A];
	s0 =	simm.s32 @p1 $0x1  }
0x15: {  	[smem:$0x3FB7] =	sst s0;
	s0 =	simm.s32 @!p2 $0x0  }
0x16: {  	s3 =	sld [smem:$0x3FDB];
	s0 =	simm.s32 @p2 $0x1  }
0x17: {  	s4 =	simm.s32 $0x1BF5;
	[smem:$0x3FB9] =	sst s0  }
0x18: {  	s0 =	sld [smem:$0x3F9C];
	_ =	swait.ge [sflag:s4], $0x0  }
0x19: {  	s7 =	sld [smem:$0x3F9D]  }
0x1a: {  	s8 =	sadd.s32 $0xFFFFE003, lr  }
0x1b: {  	s9 =	sadd.s32 $0xFFFFFEF7, lr;
	s5 =	simm.s32 $0xFFFFFFFF;
	p2 =	slt.u32 s8, $0xFFFFF086  }
0x1c: {  	p1 =	slt.u32 s9, $0xF7A;
	s5 =	simm.s32 @!p2 $0x0  }
0x1d: {  	s5 =	simm.s32 @p1 $0x1;
	p0 =	seq.s32 s7, s2  }
0x1e: {  	s7 =	smul.u32 @!p0 $0xF7A, s2;
	p2 =	seq.s32 @!p0 s5, $0x0  }
0x1f: {  	s9 =	smul.u32 $0xF7A, s1;
	s8 =	simm.s32 @!p0 $0x1BF5;
	p2 =	por !p2, p0  }
0x20: {  	[sflag:s8] =	ssyncset.s32 @!p0 $0xFFFFF086;
	s6 =	sadd.s32 @!p0 s3, s7;
	s7 =	simm.s32 @!p0 $0x108  }
0x21: {  	s3 =	sadd.s32 s3, s9;
	s6 =	sadd.s32 @!p0 $0x88, s6;
	s7 =	simm.s32 @p2 $0x1082  }
0x22: {  	[simem:s7], [sflag:s8] =	dma.local @!p0 [hbm:s6], $0xF7A  }
0x23: {  	s9 =	sor.u32 $0xD0000000, s2;
	s6 =	simm.s32 $0x108;
	_ =	swait.ge @!p0 [sflag:s8], $0x0  }
0x24: {  	s3 =	sadd.s32 $0x88, s3;
	s6 =	simm.s32 @!p1 $0x1082;
	[sflag:s4] =	ssyncset.s32 $0xFFFFF086  }
0x25: {  	[simem:s6], [sflag:s4] =	dma.local [hbm:s3], $0xF7A  }
0x26: {  	[smem:$0x3F9D] =	sst s1;
	(tag) =	ssettag s2;
	_ =	strace s9  }
0x27: {  	s1 =	sld [smem:$0x3FAD]  }
0x28: {  	s2 =	sld [smem:$0x3FAE]  }
0x29: {  	s4 =	sld [smem:$0x3FB0]  }
0x2a: {  	p0 =	seq.s32 s5, $0x0;
	s5 =	sld [smem:$0x3FB1]  }
0x2b: {  	s6 =	sld [smem:$0x3FB2]  }
0x2c: {  	s7 =	sld [smem:$0x3FB3]  }
0x2d: {  	s3 =	simm.s32 $0x108;
	s8 =	sld [smem:$0x3FB4]  }
0x2e: {  	s3 =	simm.s32 @!p0 $0x1082;
	s9 =	sld [smem:$0x3FB5]  }
0x2f: {  	lr =	sadd.s32 s0, s3;
	s0 =	sld [smem:$0x3FAC]  }
0x30: {  	s3 =	sld [smem:$0x3FAF]  }
0x31: {  	[smem:$0x3FB8] =	sst s10  }
0x32: {  	s10 =	sld [smem:$0x3FB6];
	_ =	sdelay $0x3  }
0x33: {  	p0 =	seq.s32 s10, $0x1;
	s10 =	sld [smem:$0x3FB8];
	_ =	sdelay $0x3  }
0x34: {  	[smem:$0x3FB8] =	sst s10  }
0x35: {  	s10 =	sld [smem:$0x3FB7];
	_ =	sdelay $0x3  }
0x36: {  	p1 =	seq.s32 s10, $0x1;
	s10 =	sld [smem:$0x3FB8];
	_ =	sdelay $0x3  }
0x37: {  	[smem:$0x3FB8] =	sst s10  }
0x38: {  	s10 =	sld [smem:$0x3FB9]  }
0x39: {  	_ = 	snop;
	(pc) =	sbr.ind lr, $3  }
0x3a: {  	_ = 	snop  }
0x3b: {  	_ = 	snop  }
0x3c: {  	p2 =	seq.s32 s10, $0x1;
	s10 =	sld [smem:$0x3FB8]  }
0x3d: {  	_ =	shalt  }
0x3e: {  	_ =	shalt  }
0x3f: {  	_ =	shalt  }
0x40: {  	_ =	shalt  }
0x41: {  	_ =	shalt  }
0x42: {  	_ =	shalt  }
0x43: {  	_ =	shalt  }
0x44: {  	_ =	shalt  }
0x45: {  	_ =	shalt  }
0x46: {  	_ =	shalt  }
0x47: {  	_ =	shalt  }
0x48: {  	_ =	shalt  }
0x49: {  	_ =	shalt  }
0x4a: {  	_ =	shalt  }
0x4b: {  	_ =	shalt  }
0x4c: {  	_ =	shalt  }
0x4d: {  	_ =	shalt  }
0x4e: {  	_ =	shalt  }
0x4f: {  	_ =	shalt  }
0x50: {  	_ =	shalt  }
0x51: {  	_ =	shalt  }
0x52: {  	_ =	shalt  }
0x53: {  	_ =	shalt  }
0x54: {  	_ =	shalt  }
0x55: {  	_ =	shalt  }
0x56: {  	_ =	shalt  }
0x57: {  	_ =	shalt  }
0x58: {  	_ =	shalt  }
0x59: {  	_ =	shalt  }
0x5a: {  	_ =	shalt  }
0x5b: {  	_ =	shalt  }
0x5c: {  	_ =	shalt  }
0x5d: {  	_ =	shalt  }
0x5e: {  	_ =	shalt  }
0x5f: {  	_ =	shalt  }
0x60: {  	_ =	shalt  }
0x61: {  	_ =	shalt  }
0x62: {  	_ =	shalt  }
0x63: {  	_ =	shalt  }
0x64: {  	_ =	shalt  }
0x65: {  	_ =	shalt  }
0x66: {  	_ =	shalt  }
0x67: {  	_ =	shalt  }
0x68: {  	_ =	shalt  }
0x69: {  	_ =	shalt  }
0x6a: {  	_ =	shalt  }
0x6b: {  	_ =	shalt  }
0x6c: {  	_ =	shalt  }
0x6d: {  	_ =	shalt  }
0x6e: {  	_ =	shalt  }
0x6f: {  	_ =	shalt  }
0x70: {  	_ =	shalt  }
0x71: {  	_ =	shalt  }
0x72: {  	_ =	shalt  }
0x73: {  	_ =	shalt  }
0x74: {  	_ =	shalt  }
0x75: {  	_ =	shalt  }
0x76: {  	_ =	shalt  }
0x77: {  	_ =	shalt  }
0x78: {  	_ =	shalt  }
0x79: {  	_ =	shalt  }
0x7a: {  	_ =	shalt  }
0x7b: {  	_ =	shalt  }
0x7c: {  	_ =	shalt  }
0x7d: {  	_ =	shalt  }
0x7e: {  	_ =	shalt  }
0x7f: {  	_ =	shalt  }
0x80: {  	_ =	shalt  }
0x81: {  	_ =	shalt  }
0x82: {  	_ =	shalt  }
0x83: {  	_ =	shalt  }
0x84: {  	_ =	shalt  }
0x85: {  	_ =	shalt  }
0x86: {  	_ =	shalt  }
0x87: {  	_ =	shalt  }
.Lfunc_end0:
.L_simem_size_0:
called_computation_lowered:
.L_overlay_start_0:
0x88: {  	s2 =	sld [smem:$0x3FD9]  }
0x89: {  	s3 =	sld [smem:$0x3FFE];
	_ =	sdelay $0x1  }
0x8a: {  	s1 =	srdreg.scid  }
0x8b: {  	s0 =	sand.u32 $0x1, s1  }
0x8c: {  	s16 =	sshll.u32 s0, $0xA;
	s2 =	sadd.s32 s3, s2  }
0x8d: {  	s2 =	sadd.s32 s2, s16  }
0x8e: {  	[smem:$0x3FC4] =	sst s2  }
0x8f: {  	_ = 	snop  }
0x90: {  	(tm) =	ssettm $0x1  }
0x91: {  	s17 =	sld [smem:$0x3FFB];
	_ =	sdelay $0x3  }
0x92: {  	_ =	strace s17  }
0x93: {  	s2 =	sld [smem:$0x3FFC];
	_ =	sdelay $0x3  }
0x94: {  	_ =	strace s2  }
0x95: {  	s2 =	sld [smem:$0x3FFD];
	_ =	sdelay $0x3  }
0x96: {  	_ =	strace s2  }
0x97: {  	_ =	strace $0x8FFFFFFF  }
0x98: {  	s18 =	sld [smem:$0x3FDB];
	_ =	sdelay $0x1  }
0x99: {  	s19 =	simm.s32 $_scs_section_size  }
0x9a: {  	s4 =	simm.s32 $_size__tile_overlayer_lowered;
	s5 =	simm.s32 $_tile_overlayer_lowered  }
0x9b: {  	s22 =	simm.s32 $0x1BFF;
	s21 =	sshll.u32 s5, $0x1;
	s2 =	sadd.s32 s19, s18  }
0x9c: {  	s6 =	simm.s32 $0x0;
	s20 =	sshll.u32 s4, $0x1;
	s4 =	sadd.s32 s21, s2  }
0x9d: {  	[timem:s6], [sflag:s22] =	dma.local [hbm:s4], s20  }
0x9e: {  	_ =	swait.ge [sflag:s22], s20  }
0x9f: {  	s3 =	ssub.s32 $0x0, s20;
	[sflag:s22] =	ssyncset.done $0x0  }
0xa0: {  	[sflag:s22] =	ssyncadd.s32 s3;
	_ =	sdelay $0x1  }
0xa1: {  	s23 =	simm.s32 $0x1B8B  }
0xa2: {  	_ =	swait.ge [sflag:s23], $0x1  }
0xa3: {  	[sflag:s23] =	ssyncset.done $0x0  }
0xa4: {  	s25 =	simm.s32 $0x1B8E;
	s24 =	sld [smem:$0x3FFE];
	[sflag:s23] =	ssyncadd.s32 $0xFFFFFFFF  }
0xa5: {  	s26 =	simm.s32 $execute0_lowered;
	[smem:$0x3FD2] =	sst s25  }
0xa6: {  	s4 =	sshll.u32 s26, $0x1;
	_ =	strace $0x80000046;
	[dreg:$0x1] =	wrdreg $0xFFFFFFFF  }
0xa7: {  	s28 =	simm.s32 $_size_execute0_lowered;
	s2 =	sadd.s32 s2, s4;
	[dreg:$0x0] =	wrdreg $0x0  }
0xa8: {  	s4 =	sshll.u32 s28, $0x1;
	[dreg:$0x2] =	wrdreg s2  }
0xa9: {  	[dreg:$0x3] =	wrdreg s4  }
0xaa: {  	[dreg:$0x4] =	wrdreg $0xC0  }
0xab: {  	_ =	task [dreg:s6], $0x5FFFF  }
0xac: {  	[dreg:$0x1] =	wrdreg $0xFFFFFFFF  }
0xad: {  	[dreg:$0x0] =	wrdreg $0x60  }
0xae: {  	[dreg:$0x2] =	wrdreg s24  }
0xaf: {  	[dreg:$0x3] =	wrdreg $0x9  }
0xb0: {  	_ =	task.clear_ibuf [dreg:s6], $0x4FFFF;
	_ =	strace $0x90000046  }
0xb1: {  	s29 =	simm.s32 $0x9;
	_ =	strace $0x80000048  }
0xb2: {  	_ =	swait.ge [sflag:s29], $0x1  }
0xb3: {  	[sflag:s29] =	ssyncadd.s32 $0xFFFFFFFF  }
0xb4: {  	_ =	strace $0x90000048  }
0xb5: {  	_ =	sfence  }
0xb6: {  	s30 =	sld [smem:$0x0];
	_ =	sdelay $0x2  }
0xb7: {  	s31 =	sshll.u32 s1, $0xD;
	s1 =	sshrl.u32 s1, $0x2  }
0xb8: {  	s3 =	sand.u32 $0x4000, s31;
	s1 =	sadd.s32 s1, s30  }
0xb9: {  	s0 =	sor.u32 s3, s0;
	s1 =	sshll.u32 s1, $0x11  }
0xba: {  	s0 =	sor.u32 s1, s0  }
0xbb: {  	s0 =	sadd.s32 $0x8F2B, s0  }
0xbc: {  	[sflag:s0] =	ssyncadd.remote.s32 $0x1  }
0xbd: {  	_ =	sfence.sel $0xFFFF  }
0xbe: {  	[dreg:$0x0] =	wrdreg $0xFFFFFFFF;
	(pc) =	sbr.abs _section_cstart, $3  }
0xbf: {  	[dreg:$0x1] =	wrdreg $0xFFFFFFFF  }
0xc0: {  	_ =	task.clear_ibuf [dreg:s6], $0x2FFFF;
	_ =	strace $0x9FFFFFFF  }
0xc1: {  	(tm) =	ssettm $0x7FFFFFFF  }
tec
execute0_lowered:
.L_overlay_start_1:
0x0: {  	(tag) =	ssettag $0x1  }
0x1: {  	s0 =	rddreg [dreg:$0x0]  }
0x2: {  	s1 =	srdreg.scid;
	s3 =	stileid.u32;
	s2 =	simm.s32 $0x0  }
0x3: {  	s8 =	simm.s32 $0x5;
	s9 =	simm.s32 $0x4000;
	s10 =	simm.s32 $0x80  }
0x4: {  	s12 =	simm.s32 $0x48;
	s16 =	simm.s32 $0xD200;
	s17 =	simm.s32 $0x100  }
0x5: {  	s18 =	simm.s32 $0xE400;
	s19 =	simm.s32 $0x4100;
	s20 =	simm.s32 $0x10400  }
0x6: {  	s21 =	simm.s32 $0x180;
	s22 =	simm.s32 $0x11600;
	s23 =	simm.s32 $0x4180  }
0x7: {  	s24 =	simm.s32 $0x13600;
	s25 =	simm.s32 $0x1;
	s28 =	simm.s32 $0x3  }
0x8: {  	s29 =	simm.s32 $0x4;
	s30 =	simm.s32 $0x14800;
	s31 =	simm.s32 $0x0  }
0x9: {  	s1 =	sand.u32 $0x1, s1;
	s3 =	sshll.u32 s3, $0x1;
	[smem:$0x7FF] =	sst s2  }
0xa: {  	s3 =	sor.u32 s1, s3;
	_ =	strace $0x80000047;
	s1 =	ssub.s32 $0x2, s1  }
0xb: {  	s4 =	sshll.u32 s3, $0xB;
	s26 =	sshll.u32 s3, $0xA;
	s6 =	sshrl.u32 s1, $0x1  }
0xc: {  	s3 =	sadd.s32 $0xF43800, s0;
	s5 =	sadd.s32 s4, s0;
	s0 =	sadd.s32 s26, s0  }
0xd: {  	s1 =	ssub.s32 s1, s6;
	s26 =	simm.s32 $0x2;
	s4 =	sadd.s32 $0x1400, s5  }
0xe: {  	s5 =	sadd.s32 $0x11400, s5;
	s6 =	sadd.s32 $0x21400, s0;
	s7 =	smax.u32 s1, $0x1  }
.LBB2_1:
0xf: {  	[tilespmem:s2], [sflag:$0x5] =	stream.linear.gather [hbm4b:s4+s2], $0x4000, $0x38;
	[tilespmem:$0x16800] =	vst v63  }
0x10: {  	_ =	swait.ge [sflag:s8], $0x4000  }
0x11: {  	[sflag:s8] =	ssyncset.done $0x0  }
0x12: {  	[sflag:s8] =	ssyncadd.s32 $0xFFFFC000  }
0x13: {  	[tilespmem:s9], [sflag:$0x5] =	stream.linear.gather [hbm4b:s5+s2], $0x4000, $0x38;
	[tilespmem:$0x16800] =	vst v63  }
0x14: {  	_ =	swait.ge [sflag:s8], $0x4000  }
0x15: {  	[sflag:s8] =	ssyncset.done $0x0  }
0x16: {  	s0 =	simm.s32 $0x8000;
	[sflag:s8] =	ssyncadd.s32 $0xFFFFC000  }
0x17: {  	[tilespmem:s0], [sflag:$0x1] =	stream.indirect.gather [hbm4b:s3+s10], $0x40, s2, s10, $0xb8;
	[tilespmem:$0x16800] =	vst v63  }
0x18: {  	s13 =	simm.s32 $0xA000  }
0x19: {  	[tilespmem:s13], [sflag:$0x1] =	stream.indirect.gather [hbm4b:s3+s12], $0x40, s9, s12, $0xb8;
	[tilespmem:$0x16800] =	vst v63  }
0x1a: {  	s14 =	simm.s32 $0xB200  }
0x1b: {  	[tilespmem:s14], [sflag:$0x2] =	stream.indirect.gather [hbm4b:s3+s10], $0x40, s10, s10, $0xb8;
	[tilespmem:$0x16800] =	vst v63  }
0x1c: {  	s15 =	simm.s32 $0x4080  }
0x1d: {  	[tilespmem:s16], [sflag:$0x2] =	stream.indirect.gather [hbm4b:s3+s12], $0x40, s15, s12, $0xb8;
	[tilespmem:$0x16800] =	vst v63  }
0x1e: {  	_ = 	snop  }
0x1f: {  	[tilespmem:s18], [sflag:$0x3] =	stream.indirect.gather [hbm4b:s3+s10], $0x40, s17, s10, $0xb8;
	[tilespmem:$0x16800] =	vst v63  }
0x20: {  	_ = 	snop  }
0x21: {  	[tilespmem:s20], [sflag:$0x3] =	stream.indirect.gather [hbm4b:s3+s12], $0x40, s19, s12, $0xb8;
	[tilespmem:$0x16800] =	vst v63  }
0x22: {  	_ = 	snop  }
0x23: {  	[tilespmem:s22], [sflag:$0x4] =	stream.indirect.gather [hbm4b:s3+s10], $0x40, s21, s10, $0xb8;
	[tilespmem:$0x16800] =	vst v63  }
0x24: {  	s0 =	simm.s32 $0x0  }
0x25: {  	[tilespmem:s24], [sflag:$0x4] =	stream.indirect.gather [hbm4b:s3+s12], $0x40, s23, s12, $0xb8;
	[tilespmem:$0x16800] =	vst v63  }
.LBB2_2:
0x26: {  	_ =	swait.ge [sflag:s25], $0x2000  }
0x27: {  	[sflag:s25] =	ssyncset.done $0x0  }
0x28: {  	[sflag:s25] =	ssyncadd.s32 $0xFFFFE000  }
0x29: {  	s1 =	sshll.u32 s0, $0x9;
	p0 =	seq.s32 s0, $0x1F;
	_ =	swait.ge [sflag:s25], $0x1200  }
0x2a: {  	s11 =	sadd.s32 @!p0 $0x200, s1;
	[sflag:s25] =	ssyncset.done $0x0  }
0x2b: {  	s13 =	simm.s32 @!p0 $0x80;
	s14 =	simm.s32 @!p0 $0x8000;
	[sflag:s25] =	ssyncadd.s32 $0xFFFFEE00  }
0x2c: {  	[tilespmem:s14], [sflag:$0x1] =	stream.indirect.gather @!p0 [hbm4b:s3+s13], $0x40, s11, s13, $0xb8;
	[tilespmem:$0x16800] =	vst v63  }
0x2d: {  	s11 =	sadd.s32 @!p0 $0x4200, s1;
	s13 =	simm.s32 @!p0 $0x48;
	s14 =	simm.s32 @!p0 $0xA000  }
0x2e: {  	[tilespmem:s14], [sflag:$0x1] =	stream.indirect.gather @!p0 [hbm4b:s3+s13], $0x40, s11, s13, $0xb8;
	[tilespmem:$0x16800] =	vst v63  }
0x2f: {  	s11 =	simm.s32 $0x0  }
0x30: {  	v0 =	vld [tilespmem:s11+$0x81C0]  }
0x31: {  	v1 =	vld [tilespmem:s11+$0x81D0]  }
0x32: {  	v2 =	vld [tilespmem:s11+$0x8180]  }
0x33: {  	v3 =	vld [tilespmem:s11+$0x8190]  }
0x34: {  	v4 =	vld [tilespmem:s11+$0x8140]  }
0x35: {  	v5 =	vld [tilespmem:s11+$0x8150]  }
0x36: {  	v6 =	vld [tilespmem:s11+$0x8100]  }
0x37: {  	v7 =	vld [tilespmem:s11+$0x8110]  }
0x38: {  	v9 =	vld [tilespmem:s11+$0x80C0]  }
0x39: {  	v8 =	vld [tilespmem:s11+$0x80D0]  }
0x3a: {  	v11 =	vld [tilespmem:s11+$0x8080]  }
0x3b: {  	v10 =	vld [tilespmem:s11+$0x8090]  }
0x3c: {  	v17 =	vld [tilespmem:s11+$0x8040]  }
0x3d: {  	v16 =	vld [tilespmem:s11+$0x8050]  }
0x3e: {  	v19 =	vld [tilespmem:s11+$0x8000]  }
0x3f: {  	v12 =	vimm.f32 $0.0e+00;
	v20 =	vld [tilespmem:s11+$0x8010]  }
0x40: {  	v15 =	vimm.f32 $0.0e+00;
	v14 =	vimm.f32 $0.0e+00;
	v13 =	vimm.f32 $0.0e+00;
	s13 =	simm.s32 $0x800;
	v18 =	vld [tilespmem:s11+$0x8020]  }
.LBB2_3:
0x41: {  	p1 =	sne.s32 s13, $0xC000;
	v21 =	vld [tilespmem:s11+$0x8030]  }
0x42: {  	v22 =	vld [tilespmem:s11+$0x8060]  }
0x43: {  	v23 =	vld [tilespmem:s11+$0x8070]  }
0x44: {  	v24 =	vld [tilespmem:s11+$0x80A0]  }
0x45: {  	v12 =	vadd.f32 v19, v12;
	v15 =	vadd.f32 v20, v15;
	v19 =	vld [tilespmem:s11+$0x80B0]  }
0x46: {  	v14 =	vadd.f32 v18, v14;
	v13 =	vadd.f32 v21, v13;
	v18 =	vld [tilespmem:s11+$0x80E0]  }
0x47: {  	v12 =	vadd.f32 v17, v12;
	v15 =	vadd.f32 v16, v15;
	v16 =	vld [tilespmem:s11+$0x80F0]  }
0x48: {  	v14 =	vadd.f32 v22, v14;
	v13 =	vadd.f32 v23, v13;
	v17 =	vld [tilespmem:s11+$0x8120]  }
0x49: {  	v11 =	vadd.f32 v11, v12;
	v10 =	vadd.f32 v10, v15;
	v12 =	vld [tilespmem:s11+$0x8130]  }
0x4a: {  	v14 =	vadd.f32 v24, v14;
	v13 =	vadd.f32 v19, v13;
	v15 =	vld [tilespmem:s11+$0x8160]  }
0x4b: {  	v9 =	vadd.f32 v9, v11;
	v8 =	vadd.f32 v8, v10;
	v10 =	vld [tilespmem:s11+$0x8170]  }
0x4c: {  	v11 =	vadd.f32 v18, v14;
	v13 =	vadd.f32 v16, v13;
	v14 =	vld [tilespmem:s11+$0x81A0]  }
0x4d: {  	v6 =	vadd.f32 v6, v9;
	v7 =	vadd.f32 v7, v8;
	v8 =	vld [tilespmem:s11+$0x81B0]  }
0x4e: {  	v9 =	vadd.f32 v17, v11;
	v11 =	vadd.f32 v12, v13;
	v13 =	vld [tilespmem:s11+$0x81E0]  }
0x4f: {  	v4 =	vadd.f32 v4, v6;
	v5 =	vadd.f32 v5, v7;
	v6 =	vld [tilespmem:s11+$0x81F0];
	s11 =	sshra.s32 s13, $0x2  }
0x50: {  	v9 =	vadd.f32 v15, v9;
	v7 =	vld [tilespmem:s11+$0x81C0];
	v10 =	vadd.f32 v10, v11  }
0x51: {  	v4 =	vadd.f32 v2, v4;
	v5 =	vadd.f32 v3, v5;
	v11 =	vld [tilespmem:s11+$0x81D0]  }
0x52: {  	v9 =	vadd.f32 v14, v9;
	v2 =	vld [tilespmem:s11+$0x8180];
	v8 =	vadd.f32 v8, v10  }
0x53: {  	v12 =	vadd.f32 v0, v4;
	v15 =	vadd.f32 v1, v5;
	v3 =	vld [tilespmem:s11+$0x8190]  }
0x54: {  	v14 =	vadd.f32 v13, v9;
	v4 =	vld [tilespmem:s11+$0x8140];
	v13 =	vadd.f32 v6, v8  }
0x55: {  	v5 =	vld [tilespmem:s11+$0x8150];
	v0 =	vmov v7  }
0x56: {  	v6 =	vld [tilespmem:s11+$0x8100];
	v1 =	vmov v11  }
0x57: {  	v7 =	vld [tilespmem:s11+$0x8110]  }
0x58: {  	v9 =	vld [tilespmem:s11+$0x80C0]  }
0x59: {  	v8 =	vld [tilespmem:s11+$0x80D0]  }
0x5a: {  	v11 =	vld [tilespmem:s11+$0x8080]  }
0x5b: {  	v10 =	vld [tilespmem:s11+$0x8090]  }
.Ltmp0:
0x5c: {  	v17 =	vld [tilespmem:s11+$0x8040];
	(pc) =	sbr.rel @p1 .LBB2_3-.Ltmp0, $4  }
0x5d: {  	v16 =	vld [tilespmem:s11+$0x8050]  }
0x5e: {  	v19 =	vld [tilespmem:s11+$0x8000]  }
0x5f: {  	v20 =	vld [tilespmem:s11+$0x8010]  }
0x60: {  	s13 =	sadd.s32 $0x800, s13;
	v18 =	vld [tilespmem:s11+$0x8020]  }
0x61: {  	v21 =	vld [tilespmem:s11+$0x8030]  }
0x62: {  	v22 =	vld [tilespmem:s11+$0x8060]  }
0x63: {  	v23 =	vld [tilespmem:s11+$0x8070];
	v12 =	vadd.f32 v19, v12  }
0x64: {  	v19 =	vld [tilespmem:s11+$0x80A0];
	v15 =	vadd.f32 v20, v15  }
0x65: {  	v20 =	vld [tilespmem:s11+$0x80B0];
	v14 =	vadd.f32 v18, v14;
	v12 =	vadd.f32 v17, v12  }
0x66: {  	v17 =	vld [tilespmem:s11+$0x80E0];
	v13 =	vadd.f32 v21, v13;
	v15 =	vadd.f32 v16, v15  }
0x67: {  	v16 =	vld [tilespmem:s11+$0x80F0];
	v14 =	vadd.f32 v22, v14;
	v11 =	vadd.f32 v11, v12  }
0x68: {  	v12 =	vadd.f32 v23, v13;
	v13 =	vld [tilespmem:s11+$0x8120];
	v10 =	vadd.f32 v10, v15  }
0x69: {  	v15 =	vld [tilespmem:s11+$0x8130];
	v14 =	vadd.f32 v19, v14;
	v9 =	vadd.f32 v9, v11  }
0x6a: {  	v11 =	vadd.f32 v20, v12;
	v12 =	vld [tilespmem:s11+$0x8160];
	v8 =	vadd.f32 v8, v10  }
0x6b: {  	v10 =	vld [tilespmem:s11+$0x8170];
	v14 =	vadd.f32 v17, v14;
	v6 =	vadd.f32 v6, v9  }
0x6c: {  	v9 =	vadd.f32 v16, v11;
	v11 =	vld [tilespmem:s11+$0x81A0];
	v7 =	vadd.f32 v7, v8  }
0x6d: {  	v8 =	vld [tilespmem:s11+$0x81B0];
	v13 =	vadd.f32 v13, v14;
	v4 =	vadd.f32 v4, v6  }
0x6e: {  	v6 =	vadd.f32 v15, v9;
	v9 =	vld [tilespmem:s11+$0x81E0];
	v5 =	vadd.f32 v5, v7  }
0x6f: {  	v7 =	vld [tilespmem:s11+$0x81F0];
	v12 =	vadd.f32 v12, v13;
	v2 =	vadd.f32 v2, v4  }
0x70: {  	v4 =	vadd.f32 v10, v6;
	v3 =	vadd.f32 v3, v5  }
0x71: {  	s15 =	sshll.u32 s0, $0x8;
	v5 =	vadd.f32 v11, v12;
	v0 =	vadd.f32 v0, v2  }
0x72: {  	s11 =	sand.u32 $0x3FFFFF00, s15;
	v2 =	vadd.f32 v8, v4;
	v1 =	vadd.f32 v1, v3  }
0x73: {  	v3 =	vadd.f32 v9, v5;
	[tilespmem:s11+$0x14800] =	vst v0  }
0x74: {  	v0 =	vadd.f32 v7, v2;
	[tilespmem:s11+$0x14810] =	vst v1  }
0x75: {  	[tilespmem:s11+$0x14820] =	vst v3  }
0x76: {  	[tilespmem:s11+$0x14830] =	vst v0  }
0x77: {  	_ =	swait.ge [sflag:s26], $0x2000  }
0x78: {  	[sflag:s26] =	ssyncset.done $0x0  }
0x79: {  	[sflag:s26] =	ssyncadd.s32 $0xFFFFE000  }
0x7a: {  	_ =	swait.ge [sflag:s26], $0x1200  }
0x7b: {  	s13 =	sadd.s32 @!p0 $0x280, s1;
	[sflag:s26] =	ssyncset.done $0x0  }
0x7c: {  	s14 =	simm.s32 @!p0 $0x80;
	s15 =	simm.s32 @!p0 $0xB200;
	[sflag:s26] =	ssyncadd.s32 $0xFFFFEE00  }
0x7d: {  	[tilespmem:s15], [sflag:$0x2] =	stream.indirect.gather @!p0 [hbm4b:s3+s14], $0x40, s13, s14, $0xb8;
	[tilespmem:$0x16800] =	vst v63  }
0x7e: {  	s13 =	sadd.s32 @!p0 $0x4280, s1;
	s14 =	simm.s32 @!p0 $0x48;
	s15 =	simm.s32 @!p0 $0xD200  }
0x7f: {  	[tilespmem:s15], [sflag:$0x2] =	stream.indirect.gather @!p0 [hbm4b:s3+s14], $0x40, s13, s14, $0xb8;
	[tilespmem:$0x16800] =	vst v63  }
0x80: {  	s13 =	simm.s32 $0x0  }
0x81: {  	v0 =	vld [tilespmem:s13+$0xB3C0]  }
0x82: {  	v1 =	vld [tilespmem:s13+$0xB3D0]  }
0x83: {  	v2 =	vld [tilespmem:s13+$0xB380]  }
0x84: {  	v3 =	vld [tilespmem:s13+$0xB390]  }
0x85: {  	v4 =	vld [tilespmem:s13+$0xB340]  }
0x86: {  	v5 =	vld [tilespmem:s13+$0xB350]  }
0x87: {  	v6 =	vld [tilespmem:s13+$0xB300]  }
0x88: {  	v7 =	vld [tilespmem:s13+$0xB310]  }
0x89: {  	v9 =	vld [tilespmem:s13+$0xB2C0]  }
0x8a: {  	v8 =	vld [tilespmem:s13+$0xB2D0]  }
0x8b: {  	v11 =	vld [tilespmem:s13+$0xB280]  }
0x8c: {  	v10 =	vld [tilespmem:s13+$0xB290]  }
0x8d: {  	v17 =	vld [tilespmem:s13+$0xB240]  }
0x8e: {  	v16 =	vld [tilespmem:s13+$0xB250]  }
0x8f: {  	v19 =	vld [tilespmem:s13+$0xB200]  }
0x90: {  	v14 =	vimm.f32 $0.0e+00;
	v20 =	vld [tilespmem:s13+$0xB210]  }
0x91: {  	v15 =	vimm.f32 $0.0e+00;
	v13 =	vimm.f32 $0.0e+00;
	v12 =	vimm.f32 $0.0e+00;
	s14 =	simm.s32 $0x800;
	v18 =	vld [tilespmem:s13+$0xB220]  }
.LBB2_5:
0x92: {  	p1 =	sne.s32 s14, $0xC000;
	v21 =	vld [tilespmem:s13+$0xB230]  }
0x93: {  	v22 =	vld [tilespmem:s13+$0xB260]  }
0x94: {  	v23 =	vld [tilespmem:s13+$0xB270]  }
0x95: {  	v24 =	vld [tilespmem:s13+$0xB2A0]  }
0x96: {  	v12 =	vadd.f32 v19, v12;
	v15 =	vadd.f32 v20, v15;
	v19 =	vld [tilespmem:s13+$0xB2B0]  }
0x97: {  	v14 =	vadd.f32 v18, v14;
	v13 =	vadd.f32 v21, v13;
	v18 =	vld [tilespmem:s13+$0xB2E0]  }
0x98: {  	v12 =	vadd.f32 v17, v12;
	v15 =	vadd.f32 v16, v15;
	v16 =	vld [tilespmem:s13+$0xB2F0]  }
0x99: {  	v14 =	vadd.f32 v22, v14;
	v13 =	vadd.f32 v23, v13;
	v17 =	vld [tilespmem:s13+$0xB320]  }
0x9a: {  	v11 =	vadd.f32 v11, v12;
	v10 =	vadd.f32 v10, v15;
	v12 =	vld [tilespmem:s13+$0xB330]  }
0x9b: {  	v14 =	vadd.f32 v24, v14;
	v13 =	vadd.f32 v19, v13;
	v15 =	vld [tilespmem:s13+$0xB360]  }
0x9c: {  	v9 =	vadd.f32 v9, v11;
	v8 =	vadd.f32 v8, v10;
	v10 =	vld [tilespmem:s13+$0xB370]  }
0x9d: {  	v11 =	vadd.f32 v18, v14;
	v13 =	vadd.f32 v16, v13;
	v14 =	vld [tilespmem:s13+$0xB3A0]  }
0x9e: {  	v6 =	vadd.f32 v6, v9;
	v7 =	vadd.f32 v7, v8;
	v8 =	vld [tilespmem:s13+$0xB3B0]  }
0x9f: {  	v9 =	vadd.f32 v17, v11;
	v11 =	vadd.f32 v12, v13;
	v13 =	vld [tilespmem:s13+$0xB3E0]  }
0xa0: {  	v4 =	vadd.f32 v4, v6;
	v5 =	vadd.f32 v5, v7;
	v6 =	vld [tilespmem:s13+$0xB3F0];
	s13 =	sshra.s32 s14, $0x2  }
0xa1: {  	v9 =	vadd.f32 v15, v9;
	v7 =	vld [tilespmem:s13+$0xB3C0];
	v10 =	vadd.f32 v10, v11  }
0xa2: {  	v4 =	vadd.f32 v2, v4;
	v5 =	vadd.f32 v3, v5;
	v11 =	vld [tilespmem:s13+$0xB3D0]  }
0xa3: {  	v9 =	vadd.f32 v14, v9;
	v2 =	vld [tilespmem:s13+$0xB380];
	v8 =	vadd.f32 v8, v10  }
0xa4: {  	v12 =	vadd.f32 v0, v4;
	v15 =	vadd.f32 v1, v5;
	v3 =	vld [tilespmem:s13+$0xB390]  }
0xa5: {  	v14 =	vadd.f32 v13, v9;
	v4 =	vld [tilespmem:s13+$0xB340];
	v13 =	vadd.f32 v6, v8  }
0xa6: {  	v5 =	vld [tilespmem:s13+$0xB350];
	v0 =	vmov v7  }
0xa7: {  	v6 =	vld [tilespmem:s13+$0xB300];
	v1 =	vmov v11  }
0xa8: {  	v7 =	vld [tilespmem:s13+$0xB310]  }
0xa9: {  	v9 =	vld [tilespmem:s13+$0xB2C0]  }
0xaa: {  	v8 =	vld [tilespmem:s13+$0xB2D0]  }
0xab: {  	v11 =	vld [tilespmem:s13+$0xB280]  }
0xac: {  	v10 =	vld [tilespmem:s13+$0xB290]  }
.Ltmp1:
0xad: {  	v17 =	vld [tilespmem:s13+$0xB240];
	(pc) =	sbr.rel @p1 .LBB2_5-.Ltmp1, $4  }
0xae: {  	v16 =	vld [tilespmem:s13+$0xB250]  }
0xaf: {  	v19 =	vld [tilespmem:s13+$0xB200]  }
0xb0: {  	v20 =	vld [tilespmem:s13+$0xB210]  }
0xb1: {  	s14 =	sadd.s32 $0x800, s14;
	v18 =	vld [tilespmem:s13+$0xB220]  }
0xb2: {  	v21 =	vld [tilespmem:s13+$0xB230]  }
0xb3: {  	v22 =	vld [tilespmem:s13+$0xB260]  }
0xb4: {  	v23 =	vld [tilespmem:s13+$0xB270];
	v12 =	vadd.f32 v19, v12  }
0xb5: {  	v19 =	vld [tilespmem:s13+$0xB2A0];
	v15 =	vadd.f32 v20, v15  }
0xb6: {  	v20 =	vld [tilespmem:s13+$0xB2B0];
	v14 =	vadd.f32 v18, v14;
	v12 =	vadd.f32 v17, v12  }
0xb7: {  	v17 =	vld [tilespmem:s13+$0xB2E0];
	v13 =	vadd.f32 v21, v13;
	v15 =	vadd.f32 v16, v15  }
0xb8: {  	v16 =	vld [tilespmem:s13+$0xB2F0];
	v14 =	vadd.f32 v22, v14;
	v11 =	vadd.f32 v11, v12  }
0xb9: {  	v12 =	vadd.f32 v23, v13;
	v13 =	vld [tilespmem:s13+$0xB320];
	v10 =	vadd.f32 v10, v15  }
0xba: {  	v15 =	vld [tilespmem:s13+$0xB330];
	v14 =	vadd.f32 v19, v14;
	v9 =	vadd.f32 v9, v11  }
0xbb: {  	v11 =	vadd.f32 v20, v12;
	v12 =	vld [tilespmem:s13+$0xB360];
	v8 =	vadd.f32 v8, v10  }
0xbc: {  	v10 =	vld [tilespmem:s13+$0xB370];
	v14 =	vadd.f32 v17, v14;
	v6 =	vadd.f32 v6, v9  }
0xbd: {  	v9 =	vadd.f32 v16, v11;
	v11 =	vld [tilespmem:s13+$0xB3A0];
	v7 =	vadd.f32 v7, v8  }
0xbe: {  	v8 =	vld [tilespmem:s13+$0xB3B0];
	v13 =	vadd.f32 v13, v14;
	v4 =	vadd.f32 v4, v6  }
0xbf: {  	v6 =	vadd.f32 v15, v9;
	v9 =	vld [tilespmem:s13+$0xB3E0];
	v5 =	vadd.f32 v5, v7  }
0xc0: {  	v7 =	vld [tilespmem:s13+$0xB3F0];
	v12 =	vadd.f32 v12, v13;
	v2 =	vadd.f32 v2, v4  }
0xc1: {  	v4 =	vadd.f32 v10, v6;
	v3 =	vadd.f32 v3, v5  }
0xc2: {  	v5 =	vadd.f32 v11, v12;
	v0 =	vadd.f32 v0, v2  }
0xc3: {  	v2 =	vadd.f32 v8, v4;
	v1 =	vadd.f32 v1, v3  }
0xc4: {  	v3 =	vadd.f32 v9, v5;
	[tilespmem:s11+$0x14840] =	vst v0  }
0xc5: {  	v0 =	vadd.f32 v7, v2;
	[tilespmem:s11+$0x14850] =	vst v1  }
0xc6: {  	[tilespmem:s11+$0x14860] =	vst v3  }
0xc7: {  	[tilespmem:s11+$0x14870] =	vst v0  }
0xc8: {  	_ =	swait.ge [sflag:s28], $0x2000  }
0xc9: {  	[sflag:s28] =	ssyncset.done $0x0  }
0xca: {  	[sflag:s28] =	ssyncadd.s32 $0xFFFFE000  }
0xcb: {  	_ =	swait.ge [sflag:s28], $0x1200  }
0xcc: {  	s14 =	simm.s32 @!p0 $0x80;
	[sflag:s28] =	ssyncset.done $0x0  }
0xcd: {  	s15 =	simm.s32 @!p0 $0xE400;
	s13 =	sadd.s32 @!p0 $0x300, s1;
	[sflag:s28] =	ssyncadd.s32 $0xFFFFEE00  }
0xce: {  	[tilespmem:s15], [sflag:$0x3] =	stream.indirect.gather @!p0 [hbm4b:s3+s14], $0x40, s13, s14, $0xb8;
	[tilespmem:$0x16800] =	vst v63  }
0xcf: {  	s13 =	sadd.s32 @!p0 $0x4300, s1;
	s14 =	simm.s32 @!p0 $0x48;
	s15 =	simm.s32 @!p0 $0x10400  }
0xd0: {  	[tilespmem:s15], [sflag:$0x3] =	stream.indirect.gather @!p0 [hbm4b:s3+s14], $0x40, s13, s14, $0xb8;
	[tilespmem:$0x16800] =	vst v63  }
0xd1: {  	s13 =	simm.s32 $0x0  }
0xd2: {  	v0 =	vld [tilespmem:s13+$0xE5C0]  }
0xd3: {  	v1 =	vld [tilespmem:s13+$0xE5D0]  }
0xd4: {  	v2 =	vld [tilespmem:s13+$0xE580]  }
0xd5: {  	v3 =	vld [tilespmem:s13+$0xE590]  }
0xd6: {  	v4 =	vld [tilespmem:s13+$0xE540]  }
0xd7: {  	v5 =	vld [tilespmem:s13+$0xE550]  }
0xd8: {  	v6 =	vld [tilespmem:s13+$0xE500]  }
0xd9: {  	v7 =	vld [tilespmem:s13+$0xE510]  }
0xda: {  	v9 =	vld [tilespmem:s13+$0xE4C0]  }
0xdb: {  	v8 =	vld [tilespmem:s13+$0xE4D0]  }
0xdc: {  	v11 =	vld [tilespmem:s13+$0xE480]  }
0xdd: {  	v10 =	vld [tilespmem:s13+$0xE490]  }
0xde: {  	v17 =	vld [tilespmem:s13+$0xE440]  }
0xdf: {  	v16 =	vld [tilespmem:s13+$0xE450]  }
0xe0: {  	v19 =	vld [tilespmem:s13+$0xE400]  }
0xe1: {  	v14 =	vimm.f32 $0.0e+00;
	v20 =	vld [tilespmem:s13+$0xE410]  }
0xe2: {  	v15 =	vimm.f32 $0.0e+00;
	v13 =	vimm.f32 $0.0e+00;
	v12 =	vimm.f32 $0.0e+00;
	s14 =	simm.s32 $0x800;
	v18 =	vld [tilespmem:s13+$0xE420]  }
.LBB2_7:
0xe3: {  	p1 =	sne.s32 s14, $0xC000;
	v21 =	vld [tilespmem:s13+$0xE430]  }
0xe4: {  	v22 =	vld [tilespmem:s13+$0xE460]  }
0xe5: {  	v23 =	vld [tilespmem:s13+$0xE470]  }
0xe6: {  	v24 =	vld [tilespmem:s13+$0xE4A0]  }
0xe7: {  	v12 =	vadd.f32 v19, v12;
	v15 =	vadd.f32 v20, v15;
	v19 =	vld [tilespmem:s13+$0xE4B0]  }
0xe8: {  	v14 =	vadd.f32 v18, v14;
	v13 =	vadd.f32 v21, v13;
	v18 =	vld [tilespmem:s13+$0xE4E0]  }
0xe9: {  	v12 =	vadd.f32 v17, v12;
	v15 =	vadd.f32 v16, v15;
	v16 =	vld [tilespmem:s13+$0xE4F0]  }
0xea: {  	v14 =	vadd.f32 v22, v14;
	v13 =	vadd.f32 v23, v13;
	v17 =	vld [tilespmem:s13+$0xE520]  }
0xeb: {  	v11 =	vadd.f32 v11, v12;
	v10 =	vadd.f32 v10, v15;
	v12 =	vld [tilespmem:s13+$0xE530]  }
0xec: {  	v14 =	vadd.f32 v24, v14;
	v13 =	vadd.f32 v19, v13;
	v15 =	vld [tilespmem:s13+$0xE560]  }
0xed: {  	v9 =	vadd.f32 v9, v11;
	v8 =	vadd.f32 v8, v10;
	v10 =	vld [tilespmem:s13+$0xE570]  }
0xee: {  	v11 =	vadd.f32 v18, v14;
	v13 =	vadd.f32 v16, v13;
	v14 =	vld [tilespmem:s13+$0xE5A0]  }
0xef: {  	v6 =	vadd.f32 v6, v9;
	v7 =	vadd.f32 v7, v8;
	v8 =	vld [tilespmem:s13+$0xE5B0]  }
0xf0: {  	v9 =	vadd.f32 v17, v11;
	v11 =	vadd.f32 v12, v13;
	v13 =	vld [tilespmem:s13+$0xE5E0]  }
0xf1: {  	v4 =	vadd.f32 v4, v6;
	v5 =	vadd.f32 v5, v7;
	v6 =	vld [tilespmem:s13+$0xE5F0];
	s13 =	sshra.s32 s14, $0x2  }
0xf2: {  	v9 =	vadd.f32 v15, v9;
	v7 =	vld [tilespmem:s13+$0xE5C0];
	v10 =	vadd.f32 v10, v11  }
0xf3: {  	v4 =	vadd.f32 v2, v4;
	v5 =	vadd.f32 v3, v5;
	v11 =	vld [tilespmem:s13+$0xE5D0]  }
0xf4: {  	v9 =	vadd.f32 v14, v9;
	v2 =	vld [tilespmem:s13+$0xE580];
	v8 =	vadd.f32 v8, v10  }
0xf5: {  	v12 =	vadd.f32 v0, v4;
	v15 =	vadd.f32 v1, v5;
	v3 =	vld [tilespmem:s13+$0xE590]  }
0xf6: {  	v14 =	vadd.f32 v13, v9;
	v4 =	vld [tilespmem:s13+$0xE540];
	v13 =	vadd.f32 v6, v8  }
0xf7: {  	v5 =	vld [tilespmem:s13+$0xE550];
	v0 =	vmov v7  }
0xf8: {  	v6 =	vld [tilespmem:s13+$0xE500];
	v1 =	vmov v11  }
0xf9: {  	v7 =	vld [tilespmem:s13+$0xE510]  }
0xfa: {  	v9 =	vld [tilespmem:s13+$0xE4C0]  }
0xfb: {  	v8 =	vld [tilespmem:s13+$0xE4D0]  }
0xfc: {  	v11 =	vld [tilespmem:s13+$0xE480]  }
0xfd: {  	v10 =	vld [tilespmem:s13+$0xE490]  }
.Ltmp2:
0xfe: {  	v17 =	vld [tilespmem:s13+$0xE440];
	(pc) =	sbr.rel @p1 .LBB2_7-.Ltmp2, $4  }
0xff: {  	v16 =	vld [tilespmem:s13+$0xE450]  }
0x100: {  	v19 =	vld [tilespmem:s13+$0xE400]  }
0x101: {  	v20 =	vld [tilespmem:s13+$0xE410]  }
0x102: {  	s14 =	sadd.s32 $0x800, s14;
	v18 =	vld [tilespmem:s13+$0xE420]  }
0x103: {  	v21 =	vld [tilespmem:s13+$0xE430]  }
0x104: {  	v22 =	vld [tilespmem:s13+$0xE460]  }
0x105: {  	v23 =	vld [tilespmem:s13+$0xE470];
	v12 =	vadd.f32 v19, v12  }
0x106: {  	v19 =	vld [tilespmem:s13+$0xE4A0];
	v15 =	vadd.f32 v20, v15  }
0x107: {  	v20 =	vld [tilespmem:s13+$0xE4B0];
	v14 =	vadd.f32 v18, v14;
	v12 =	vadd.f32 v17, v12  }
0x108: {  	v17 =	vld [tilespmem:s13+$0xE4E0];
	v13 =	vadd.f32 v21, v13;
	v15 =	vadd.f32 v16, v15  }
0x109: {  	v16 =	vld [tilespmem:s13+$0xE4F0];
	v14 =	vadd.f32 v22, v14;
	v11 =	vadd.f32 v11, v12  }
0x10a: {  	v12 =	vadd.f32 v23, v13;
	v13 =	vld [tilespmem:s13+$0xE520];
	v10 =	vadd.f32 v10, v15  }
0x10b: {  	v15 =	vld [tilespmem:s13+$0xE530];
	v14 =	vadd.f32 v19, v14;
	v9 =	vadd.f32 v9, v11  }
0x10c: {  	v11 =	vadd.f32 v20, v12;
	v12 =	vld [tilespmem:s13+$0xE560];
	v8 =	vadd.f32 v8, v10  }
0x10d: {  	v10 =	vld [tilespmem:s13+$0xE570];
	v14 =	vadd.f32 v17, v14;
	v6 =	vadd.f32 v6, v9  }
0x10e: {  	v9 =	vadd.f32 v16, v11;
	v11 =	vld [tilespmem:s13+$0xE5A0];
	v7 =	vadd.f32 v7, v8  }
0x10f: {  	v8 =	vld [tilespmem:s13+$0xE5B0];
	v13 =	vadd.f32 v13, v14;
	v4 =	vadd.f32 v4, v6  }
0x110: {  	v6 =	vadd.f32 v15, v9;
	v9 =	vld [tilespmem:s13+$0xE5E0];
	v5 =	vadd.f32 v5, v7  }
0x111: {  	v7 =	vld [tilespmem:s13+$0xE5F0];
	v12 =	vadd.f32 v12, v13;
	v2 =	vadd.f32 v2, v4  }
0x112: {  	v4 =	vadd.f32 v10, v6;
	v3 =	vadd.f32 v3, v5  }
0x113: {  	v5 =	vadd.f32 v11, v12;
	v0 =	vadd.f32 v0, v2  }
0x114: {  	v2 =	vadd.f32 v8, v4;
	v1 =	vadd.f32 v1, v3  }
0x115: {  	v3 =	vadd.f32 v9, v5;
	[tilespmem:s11+$0x14880] =	vst v0  }
0x116: {  	v0 =	vadd.f32 v7, v2;
	[tilespmem:s11+$0x14890] =	vst v1  }
0x117: {  	[tilespmem:s11+$0x148A0] =	vst v3  }
0x118: {  	[tilespmem:s11+$0x148B0] =	vst v0  }
0x119: {  	_ =	swait.ge [sflag:s29], $0x2000  }
0x11a: {  	[sflag:s29] =	ssyncset.done $0x0  }
0x11b: {  	[sflag:s29] =	ssyncadd.s32 $0xFFFFE000  }
0x11c: {  	_ =	swait.ge [sflag:s29], $0x1200  }
0x11d: {  	s14 =	simm.s32 @!p0 $0x80;
	[sflag:s29] =	ssyncset.done $0x0  }
0x11e: {  	s15 =	simm.s32 @!p0 $0x11600;
	s13 =	sadd.s32 @!p0 $0x380, s1;
	[sflag:s29] =	ssyncadd.s32 $0xFFFFEE00  }
0x11f: {  	[tilespmem:s15], [sflag:$0x4] =	stream.indirect.gather @!p0 [hbm4b:s3+s14], $0x40, s13, s14, $0xb8;
	[tilespmem:$0x16800] =	vst v63  }
0x120: {  	s1 =	sadd.s32 @!p0 $0x4380, s1;
	s13 =	simm.s32 @!p0 $0x48;
	s14 =	simm.s32 @!p0 $0x13600  }
0x121: {  	[tilespmem:s14], [sflag:$0x4] =	stream.indirect.gather @!p0 [hbm4b:s3+s13], $0x40, s1, s13, $0xb8;
	[tilespmem:$0x16800] =	vst v63  }
0x122: {  	s1 =	simm.s32 $0x0  }
0x123: {  	v0 =	vld [tilespmem:s1+$0x117C0]  }
0x124: {  	v1 =	vld [tilespmem:s1+$0x117D0]  }
0x125: {  	v2 =	vld [tilespmem:s1+$0x11780]  }
0x126: {  	v3 =	vld [tilespmem:s1+$0x11790]  }
0x127: {  	v4 =	vld [tilespmem:s1+$0x11740]  }
0x128: {  	v5 =	vld [tilespmem:s1+$0x11750]  }
0x129: {  	v6 =	vld [tilespmem:s1+$0x11700]  }
0x12a: {  	v7 =	vld [tilespmem:s1+$0x11710]  }
0x12b: {  	v9 =	vld [tilespmem:s1+$0x116C0]  }
0x12c: {  	v8 =	vld [tilespmem:s1+$0x116D0]  }
0x12d: {  	v11 =	vld [tilespmem:s1+$0x11680]  }
0x12e: {  	v10 =	vld [tilespmem:s1+$0x11690]  }
0x12f: {  	v17 =	vld [tilespmem:s1+$0x11640]  }
0x130: {  	v16 =	vld [tilespmem:s1+$0x11650]  }
0x131: {  	v19 =	vld [tilespmem:s1+$0x11600]  }
0x132: {  	v14 =	vimm.f32 $0.0e+00;
	v20 =	vld [tilespmem:s1+$0x11610]  }
0x133: {  	v15 =	vimm.f32 $0.0e+00;
	v13 =	vimm.f32 $0.0e+00;
	v12 =	vimm.f32 $0.0e+00;
	s13 =	simm.s32 $0x800;
	v18 =	vld [tilespmem:s1+$0x11620]  }
.LBB2_9:
0x134: {  	p0 =	sne.s32 s13, $0xC000;
	v21 =	vld [tilespmem:s1+$0x11630]  }
0x135: {  	v22 =	vld [tilespmem:s1+$0x11660]  }
0x136: {  	v23 =	vld [tilespmem:s1+$0x11670]  }
0x137: {  	v24 =	vld [tilespmem:s1+$0x116A0]  }
0x138: {  	v12 =	vadd.f32 v19, v12;
	v15 =	vadd.f32 v20, v15;
	v19 =	vld [tilespmem:s1+$0x116B0]  }
0x139: {  	v14 =	vadd.f32 v18, v14;
	v13 =	vadd.f32 v21, v13;
	v18 =	vld [tilespmem:s1+$0x116E0]  }
0x13a: {  	v12 =	vadd.f32 v17, v12;
	v15 =	vadd.f32 v16, v15;
	v16 =	vld [tilespmem:s1+$0x116F0]  }
0x13b: {  	v14 =	vadd.f32 v22, v14;
	v13 =	vadd.f32 v23, v13;
	v17 =	vld [tilespmem:s1+$0x11720]  }
0x13c: {  	v11 =	vadd.f32 v11, v12;
	v10 =	vadd.f32 v10, v15;
	v12 =	vld [tilespmem:s1+$0x11730]  }
0x13d: {  	v14 =	vadd.f32 v24, v14;
	v13 =	vadd.f32 v19, v13;
	v15 =	vld [tilespmem:s1+$0x11760]  }
0x13e: {  	v9 =	vadd.f32 v9, v11;
	v8 =	vadd.f32 v8, v10;
	v10 =	vld [tilespmem:s1+$0x11770]  }
0x13f: {  	v11 =	vadd.f32 v18, v14;
	v13 =	vadd.f32 v16, v13;
	v14 =	vld [tilespmem:s1+$0x117A0]  }
0x140: {  	v6 =	vadd.f32 v6, v9;
	v7 =	vadd.f32 v7, v8;
	v8 =	vld [tilespmem:s1+$0x117B0]  }
0x141: {  	v9 =	vadd.f32 v17, v11;
	v11 =	vadd.f32 v12, v13;
	v13 =	vld [tilespmem:s1+$0x117E0]  }
0x142: {  	v4 =	vadd.f32 v4, v6;
	v5 =	vadd.f32 v5, v7;
	v6 =	vld [tilespmem:s1+$0x117F0];
	s1 =	sshra.s32 s13, $0x2  }
0x143: {  	v9 =	vadd.f32 v15, v9;
	v7 =	vld [tilespmem:s1+$0x117C0];
	v10 =	vadd.f32 v10, v11  }
0x144: {  	v4 =	vadd.f32 v2, v4;
	v5 =	vadd.f32 v3, v5;
	v11 =	vld [tilespmem:s1+$0x117D0]  }
0x145: {  	v9 =	vadd.f32 v14, v9;
	v2 =	vld [tilespmem:s1+$0x11780];
	v8 =	vadd.f32 v8, v10  }
0x146: {  	v12 =	vadd.f32 v0, v4;
	v15 =	vadd.f32 v1, v5;
	v3 =	vld [tilespmem:s1+$0x11790]  }
0x147: {  	v14 =	vadd.f32 v13, v9;
	v4 =	vld [tilespmem:s1+$0x11740];
	v13 =	vadd.f32 v6, v8  }
0x148: {  	v5 =	vld [tilespmem:s1+$0x11750];
	v0 =	vmov v7  }
0x149: {  	v6 =	vld [tilespmem:s1+$0x11700];
	v1 =	vmov v11  }
0x14a: {  	v7 =	vld [tilespmem:s1+$0x11710]  }
0x14b: {  	v9 =	vld [tilespmem:s1+$0x116C0]  }
0x14c: {  	v8 =	vld [tilespmem:s1+$0x116D0]  }
0x14d: {  	v11 =	vld [tilespmem:s1+$0x11680]  }
0x14e: {  	v10 =	vld [tilespmem:s1+$0x11690]  }
.Ltmp3:
0x14f: {  	v17 =	vld [tilespmem:s1+$0x11640];
	(pc) =	sbr.rel @p0 .LBB2_9-.Ltmp3, $4  }
0x150: {  	v16 =	vld [tilespmem:s1+$0x11650]  }
0x151: {  	v19 =	vld [tilespmem:s1+$0x11600]  }
0x152: {  	v20 =	vld [tilespmem:s1+$0x11610]  }
0x153: {  	s13 =	sadd.s32 $0x800, s13;
	v18 =	vld [tilespmem:s1+$0x11620]  }
0x154: {  	v21 =	vld [tilespmem:s1+$0x11630]  }
0x155: {  	v22 =	vld [tilespmem:s1+$0x11660]  }
0x156: {  	v23 =	vld [tilespmem:s1+$0x11670];
	v12 =	vadd.f32 v19, v12  }
0x157: {  	v43 =	vld [tilespmem:s1+$0x116A0];
	v15 =	vadd.f32 v20, v15  }
0x158: {  	v44 =	vld [tilespmem:s1+$0x116B0];
	v14 =	vadd.f32 v18, v14;
	v12 =	vadd.f32 v17, v12  }
0x159: {  	v45 =	vld [tilespmem:s1+$0x116E0];
	v13 =	vadd.f32 v21, v13;
	v15 =	vadd.f32 v16, v15  }
0x15a: {  	v46 =	vld [tilespmem:s1+$0x116F0];
	v14 =	vadd.f32 v22, v14;
	v11 =	vadd.f32 v11, v12  }
0x15b: {  	v48 =	vld [tilespmem:s1+$0x11720];
	v47 =	vadd.f32 v23, v13;
	v10 =	vadd.f32 v10, v15  }
0x15c: {  	v49 =	vld [tilespmem:s1+$0x11730];
	v14 =	vadd.f32 v43, v14;
	v9 =	vadd.f32 v9, v11  }
0x15d: {  	v51 =	vld [tilespmem:s1+$0x11760];
	v50 =	vadd.f32 v44, v47;
	v8 =	vadd.f32 v8, v10  }
0x15e: {  	v52 =	vld [tilespmem:s1+$0x11770];
	v14 =	vadd.f32 v45, v14;
	v6 =	vadd.f32 v6, v9  }
0x15f: {  	v54 =	vld [tilespmem:s1+$0x117A0];
	v53 =	vadd.f32 v46, v50;
	v7 =	vadd.f32 v7, v8  }
0x160: {  	v55 =	vld [tilespmem:s1+$0x117B0];
	v13 =	vadd.f32 v48, v14;
	v4 =	vadd.f32 v4, v6  }
0x161: {  	v57 =	vld [tilespmem:s1+$0x117E0];
	v56 =	vadd.f32 v49, v53;
	v5 =	vadd.f32 v5, v7  }
0x162: {  	v58 =	vld [tilespmem:s1+$0x117F0];
	v12 =	vadd.f32 v51, v13;
	v2 =	vadd.f32 v2, v4  }
0x163: {  	s0 =	sadd.s32 $0x1, s0;
	v59 =	vadd.f32 v52, v56;
	v3 =	vadd.f32 v3, v5  }
0x164: {  	p0 =	sne.s32 s0, $0x20;
	v60 =	vadd.f32 v54, v12;
	v0 =	vadd.f32 v0, v2  }
.Ltmp4:
0x165: {  	v61 =	vadd.f32 v55, v59;
	v1 =	vadd.f32 v1, v3;
	(pc) =	sbr.rel @p0 .LBB2_2-.Ltmp4, $4  }
0x166: {  	v62 =	vadd.f32 v57, v60;
	[tilespmem:s11+$0x148C0] =	vst v0  }
0x167: {  	v63 =	vadd.f32 v58, v61;
	[tilespmem:s11+$0x148D0] =	vst v1  }
0x168: {  	[tilespmem:s11+$0x148E0] =	vst v62  }
0x169: {  	[tilespmem:s11+$0x148F0] =	vst v63  }
0x16a: {  	s31 =	sadd.s32 $0x1, s31  }
0x16b: {  	p0 =	sne.s32 s31, s7  }
.Ltmp5:
0x16c: {  	_ = 	snop;
	(pc) =	sbr.rel @p0 .LBB2_1-.Ltmp5, $4  }
0x16d: {  	[hbm4b:s6+s2] =	stream.linear.scatter [tilespmem:s30], [sflag:$0x5], $0x2000, $0x38;
	[tilespmem:$0x16800] =	vst v63  }
0x16e: {  	_ =	swait.ge [sflag:s8], $0x2000  }
0x16f: {  	[sflag:s8] =	ssyncset.done $0x0  }
0x170: {  	[sflag:s8] =	ssyncadd.s32 $0xFFFFE000  }
0x171: {  	_ =	sfence.sel $0x180000  }
0x172: {  	[bflag:$0x0] =	sbarrier.arrive $0xFFFF  }
0x173: {  	_ =	strace $0x90000047  }
0x174: {  	s0 =	stileid.u32;
	[bflag:$0x2] =	sbarrier.arrive $0xFFFF  }
0x175: {  	p0 =	sne.s32 s0, $0x0;
	s0 =	rddreg [dreg:$0x1]  }
0x176: {  	s0 =	sadd.s32 @!p0 $0x100000, s0  }
0x177: {  	[sflag:s0] =	ssyncadd.tile.s32 @!p0 $0x1;
	_ =	shalt  }
.Lfunc_end2:
_tile_overlayer_lowered:
.L_overlay_start_2:
0x178: {  	(tag) =	ssettag $0x2  }
0x179: {  	s0 =	rddreg [dreg:$0x0];
	s2 =	stileid.u32  }
0x17a: {  	s1 =	rddreg [dreg:$0x1];
	p0 =	sne.s32 s2, $0x0  }
0x17b: {  	s3 =	rddreg [dreg:$0x2];
	[bflag:$0x3] =	sbarrier.arrive $0xFFFF;
	s2 =	simm.s32 @!p0 $0x1C05  }
0x17c: {  	[timem:s3], [sflag:s2] =	dma.local @!p0 [hbm:s0], s1  }
0x17d: {  	s0 =	simm.s32 @!p0 $0x5  }
0x17e: {  	_ =	swait.ge @!p0 [sflag:s0], s1  }
0x17f: {  	s1 =	ssub.s32 @!p0 $0x0, s1;
	[sflag:s0] =	ssyncset.done @!p0 $0x0  }
0x180: {  	[sflag:s0] =	ssyncadd.s32 @!p0 s1  }
0x181: {  	[bflag:$0x3] =	sbarrier.arrive $0xFFFF  }
0x182: {  	_ =	shalt  }

</sc_bundles>
